<compile_context>
chip_gen: v7x
topology: tpu7x:2x2x1
jax: 0.10.2.dev20260603
libtpu: 0.0.44.dev20260713+nightly
codegen_flags: <defaults>
</compile_context>

<pallas_src>
import functools
import math

import jax
import jax.numpy as jnp
from jax import lax
from jax.experimental import pallas as pl
from jax.experimental.pallas import tpu as pltpu
from jax.experimental.pallas import tpu_sc as plsc

NC = 2
NS = 16
NW = NC * NS
L = 16

C = 80
CLAMP = 60.0


def _qkv_body(x_ref, w_ref, q_ref, k_ref, v_ref, xs_ref):
    y = jnp.dot(x_ref[...], w_ref[...], preferred_element_type=jnp.float32)
    d = q_ref.shape[-1]
    q_ref[...] = y[:, :d]
    k_ref[...] = y[:, d:2 * d]
    v_ref[...] = y[:, 2 * d:3 * d]
    xs_ref[...] = y[:, 3 * d:]


def _final_body(msg_ref, d0_ref, d1_ref, xs_ref, wp_ref, b_ref, out_ref):
    num = msg_ref[0] + msg_ref[1]
    den = d0_ref[...] + d1_ref[...] + 1e-16
    agg = num / den + xs_ref[...]
    out_ref[...] = jnp.dot(agg, wp_ref[...],
                           preferred_element_type=jnp.float32) + b_ref[...]


def _make_sc_kernel(n_nodes, n_edges, d):
    ept = n_edges // NW
    nchunk = ept // C
    assert ept % C == 0 and n_edges % NW == 0 and C % L == 0

    mesh = plsc.VectorSubcoreMesh(core_axis_name="c", subcore_axis_name="s",
                                  num_cores=NC, num_subcores=NS)

    @functools.partial(
        pl.kernel,
        out_type=[
            jax.ShapeDtypeStruct((NC, n_nodes, d), jnp.float32),
            jax.ShapeDtypeStruct((n_nodes,), jnp.float32),
            jax.ShapeDtypeStruct((n_nodes,), jnp.float32),
        ],
        mesh=mesh,
        scratch_types=[
            pltpu.VMEM((C,), jnp.int32),
            pltpu.VMEM((C,), jnp.int32),
            pltpu.VMEM((C,), jnp.int32),
            pltpu.VMEM((C,), jnp.int32),
            pltpu.VMEM((C,), jnp.int32),
            pltpu.VMEM((C,), jnp.int32),
            pltpu.VMEM((C, d), jnp.float32),
            pltpu.VMEM((C, d), jnp.float32),
            pltpu.VMEM((C, d), jnp.float32),
            pltpu.VMEM((C, d), jnp.float32),
            pltpu.VMEM((C,), jnp.float32),
            pltpu.VMEM((C,), jnp.float32),
            pltpu.VMEM_SHARED((n_nodes, d), jnp.float32),
            pltpu.VMEM_SHARED((n_nodes,), jnp.float32),
            pltpu.SemaphoreType.DMA, pltpu.SemaphoreType.DMA,
            pltpu.SemaphoreType.DMA, pltpu.SemaphoreType.DMA,
            pltpu.SemaphoreType.DMA,
            pltpu.SemaphoreType.DMA,
            pltpu.SemaphoreType.DMA, pltpu.SemaphoreType.DMA,
            pltpu.SemaphoreType.DMA, pltpu.SemaphoreType.DMA,
            pltpu.SemaphoreType.DMA, pltpu.SemaphoreType.DMA,
        ],
        compiler_params=pltpu.CompilerParams(needs_layout_passes=False),
    )
    def sc_kernel(q_hbm, k_hbm, v_hbm, src_hbm, dst_hbm, zmsg_hbm, zden_hbm,
                  msg_out, den0_out, den1_out,
                  srcb0, srcb1, dstb0, dstb1, dsts0, dsts1,
                  qrows, krows, vrows0, vrows1, evals0, evals1,
                  acc_msg, acc_den,
                  sis0, sis1, sid0, sid1, sq, sk, sv0, sv1,
                  ssm0, ssm1, ssd0, ssd1):
        cid = lax.axis_index("c")
        sid = lax.axis_index("s")
        wid = sid * NC + cid
        base = wid * ept

        srcb = (srcb0, srcb1)
        dstb = (dstb0, dstb1)
        dsts = (dsts0, dsts1)
        vrows = (vrows0, vrows1)
        evals = (evals0, evals1)
        sis = (sis0, sis1)
        sidx = (sid0, sid1)
        sv = (sv0, sv1)
        ssm = (ssm0, ssm1)
        ssd = (ssd0, ssd1)

        @pl.when(sid == 0)
        def _init():
            pltpu.sync_copy(zmsg_hbm, acc_msg)
            pltpu.sync_copy(zden_hbm, acc_den)

        plsc.subcore_barrier()

        nblk = d // L
        lane = lax.iota(jnp.int32, L)

        def start_idx(ci, p):
            off = base + ci * C
            pltpu.async_copy(src_hbm.at[pl.ds(off, C)], srcb[p], sis[p])
            pltpu.async_copy(dst_hbm.at[pl.ds(off, C)], dstb[p], sidx[p])

        def wait_idx(p):
            pltpu.make_async_copy(src_hbm.at[pl.ds(0, C)], srcb[p],
                                  sis[p]).wait()
            pltpu.make_async_copy(dst_hbm.at[pl.ds(0, C)], dstb[p],
                                  sidx[p]).wait()

        def dot(p):
            def grp_body(g, _):
                gb = g * L

                def edge_body(l, evec):
                    i = gb + l
                    acc = qrows[i, pl.ds(0, L)] * krows[i, pl.ds(0, L)]
                    for j in range(1, nblk):
                        acc += (qrows[i, pl.ds(j * L, L)]
                                * krows[i, pl.ds(j * L, L)])
                    return jnp.where(lane == l, jnp.sum(acc), evec)

                evec = lax.fori_loop(0, L, edge_body,
                                     jnp.zeros((L,), jnp.float32))
                evals[p][pl.ds(gb, L)] = jnp.exp(
                    jnp.clip(evec, -CLAMP, CLAMP))
                return ()

            lax.fori_loop(0, C // L, grp_body, ())

        def scale(p):
            def scale_body(i, _):
                eb = plsc.load_gather(evals[p],
                                      [jnp.full((L,), i, jnp.int32)])
                for j in range(nblk):
                    sl = pl.ds(j * L, L)
                    vrows[p][i, sl] = vrows[p][i, sl] * eb
                return ()

            lax.fori_loop(0, C, scale_body, ())

        def maybe_when(cond, fn):
            if isinstance(cond, bool):
                if cond:
                    fn()
            else:
                pl.when(cond)(fn)

        pltpu.sync_copy(src_hbm.at[pl.ds(base, C)], srcb0)
        pltpu.sync_copy(dst_hbm.at[pl.ds(base, C)], dstb0)
        pltpu.async_copy(q_hbm.at[dstb0], qrows, sq)
        pltpu.async_copy(k_hbm.at[srcb0], krows, sk)
        pltpu.async_copy(v_hbm.at[srcb0], vrows0, sv0)
        start_idx(1, 1)

        def step(ci, b, last):
            p = b
            pltpu.make_async_copy(q_hbm.at[dstb[p]], qrows, sq).wait()
            pltpu.make_async_copy(k_hbm.at[srcb[p]], krows, sk).wait()
            maybe_when(ci >= 2, lambda: pltpu.make_async_copy(
                evals[p], acc_den.at[dsts[p]], ssd[p]).wait())
            dot(p)
            if not last:
                wait_idx(1 - p)
                pltpu.async_copy(q_hbm.at[dstb[1 - p]], qrows, sq)
                pltpu.async_copy(k_hbm.at[srcb[1 - p]], krows, sk)
                maybe_when(ci >= 1, lambda: pltpu.make_async_copy(
                    vrows[1 - p], acc_msg.at[dsts[1 - p]], ssm[1 - p]).wait())
                pltpu.async_copy(v_hbm.at[srcb[1 - p]], vrows[1 - p],
                                 sv[1 - p])

            def cp_body(m, _):
                sl = pl.ds(m * L, L)
                dsts[p][sl] = dstb[p][sl]
                return ()

            lax.fori_loop(0, C // L, cp_body, ())
            pltpu.make_async_copy(v_hbm.at[srcb[p]], vrows[p], sv[p]).wait()
            if not last:
                maybe_when(ci + 2 < nchunk, lambda: start_idx(ci + 2, p))
            scale(p)
            pltpu.async_copy(vrows[p], acc_msg.at[dsts[p]], ssm[p], add=True)
            pltpu.async_copy(evals[p], acc_den.at[dsts[p]], ssd[p], add=True)

        def pipe_body(g, _):
            step(2 * g, 0, False)
            step(2 * g + 1, 1, False)
            return ()

        if nchunk % 2 == 1:
            lax.fori_loop(0, nchunk // 2, pipe_body, ())
            step(nchunk - 1, 0, True)
        else:
            lax.fori_loop(0, nchunk // 2 - 1, pipe_body, ())
            step(nchunk - 2, 0, False)
            step(nchunk - 1, 1, True)

        pltpu.make_async_copy(vrows0, acc_msg.at[dsts0], ssm0).wait()
        pltpu.make_async_copy(evals0, acc_den.at[dsts0], ssd0).wait()
        pltpu.make_async_copy(vrows1, acc_msg.at[dsts1], ssm1).wait()
        pltpu.make_async_copy(evals1, acc_den.at[dsts1], ssd1).wait()

        plsc.subcore_barrier()

        @pl.when(sid == 0)
        def _drain():
            pltpu.sync_copy(acc_msg, msg_out.at[cid])

        @pl.when((sid == 0) & (cid == 0))
        def _drain_den0():
            pltpu.sync_copy(acc_den, den0_out)

        @pl.when((sid == 0) & (cid == 1))
        def _drain_den1():
            pltpu.sync_copy(acc_den, den1_out)

    return sc_kernel


def kernel(x, edge_index, Wq, Wk, Wv, Wskip, Wproj, bproj):
    n, d_in = x.shape
    d = Wq.shape[1]
    dm = Wproj.shape[1]
    e = edge_index.shape[1]

    w_cat = jnp.concatenate(
        [Wq * jnp.float32(1.0 / math.sqrt(d)), Wk, Wv, Wskip], axis=1)

    blk = 1000 if n % 1000 == 0 else n
    grid = n // blk
    q, k, v, xs = pl.pallas_call(
        _qkv_body,
        grid=(grid,),
        in_specs=[
            pl.BlockSpec((blk, d_in), lambda i: (i, 0)),
            pl.BlockSpec((d_in, 4 * d), lambda i: (0, 0)),
        ],
        out_specs=[
            pl.BlockSpec((blk, d), lambda i: (i, 0)),
            pl.BlockSpec((blk, d), lambda i: (i, 0)),
            pl.BlockSpec((blk, d), lambda i: (i, 0)),
            pl.BlockSpec((blk, d), lambda i: (i, 0)),
        ],
        out_shape=[
            jax.ShapeDtypeStruct((n, d), jnp.float32),
            jax.ShapeDtypeStruct((n, d), jnp.float32),
            jax.ShapeDtypeStruct((n, d), jnp.float32),
            jax.ShapeDtypeStruct((n, d), jnp.float32),
        ],
    )(x, w_cat)

    zmsg = jnp.zeros((n, d), jnp.float32)
    zden = jnp.zeros((n,), jnp.float32)
    msg_p, den0, den1 = _make_sc_kernel(n, e, d)(
        q, k, v, edge_index[0], edge_index[1], zmsg, zden)

    out = pl.pallas_call(
        _final_body,
        grid=(grid,),
        in_specs=[
            pl.BlockSpec((NC, blk, d), lambda i: (0, i, 0)),
            pl.BlockSpec((blk, 1), lambda i: (i, 0)),
            pl.BlockSpec((blk, 1), lambda i: (i, 0)),
            pl.BlockSpec((blk, d), lambda i: (i, 0)),
            pl.BlockSpec((d, dm), lambda i: (0, 0)),
            pl.BlockSpec((1, dm), lambda i: (0, 0)),
        ],
        out_specs=pl.BlockSpec((blk, dm), lambda i: (i, 0)),
        out_shape=jax.ShapeDtypeStruct((n, dm), jnp.float32),
    )(msg_p, den0.reshape(n, 1), den1.reshape(n, 1), xs, Wproj,
      bproj.reshape(1, dm))
    return out

# --- scband reference (transcript-rebuilt; emitter-appended) ---
"""Pipeline reference for scband-geometric-tower-48043504173075 (READ-ONLY COPY).

The authoritative reference and input builder live on the scoring server;
editing this copy changes nothing except your own understanding.
"""

import jax, jax.numpy as jnp
import numpy as np

N = 10000
E = 320000
D_IN = 128
D_HID = 128
D_MODEL = 1024


def setup_inputs(seed: int = 0) -> dict:
    key = jax.random.key(seed)
    ks = jax.random.split(key, 10)
    x = jax.random.normal(ks[0], (N, D_IN), dtype=jnp.float32)
    edge_index = jax.random.randint(ks[1], (2, E), 0, N, dtype=jnp.int32)
    s_in = 1.0 / np.sqrt(D_IN)
    s_hid = 1.0 / np.sqrt(D_HID)
    Wq = jax.random.normal(ks[2], (D_IN, D_HID), dtype=jnp.float32) * s_in
    Wk = jax.random.normal(ks[3], (D_IN, D_HID), dtype=jnp.float32) * s_in
    Wv = jax.random.normal(ks[4], (D_IN, D_HID), dtype=jnp.float32) * s_in
    Wskip = jax.random.normal(ks[5], (D_IN, D_HID), dtype=jnp.float32) * s_in
    Wproj = jax.random.normal(ks[6], (D_HID, D_MODEL), dtype=jnp.float32) * s_hid
    bproj = jnp.zeros((D_MODEL,), dtype=jnp.float32)
    return {"x": x, "edge_index": edge_index, "Wq": Wq, "Wk": Wk, "Wv": Wv,
            "Wskip": Wskip, "Wproj": Wproj, "bproj": bproj}


def reference(x, edge_index, Wq, Wk, Wv, Wskip, Wproj, bproj):
    # GraphTransformer encoder (single-head TransformerConv-style attention
    # message passing with root/skip weight), then linear projector to D_MODEL.
    src = edge_index[0]
    dst = edge_index[1]
    q = x @ Wq
    k = x @ Wk
    v = x @ Wv
    # per-edge attention logits: <q_dst, k_src> / sqrt(d)
    scores = jnp.sum(q[dst] * k[src], axis=-1) / jnp.sqrt(jnp.float32(D_HID))
    # softmax over incoming edges of each destination node
    m = jax.ops.segment_max(scores, dst, num_segments=N)
    m = jnp.where(jnp.isfinite(m), m, 0.0)
    e = jnp.exp(scores - jax.lax.stop_gradient(m)[dst])
    denom = jax.ops.segment_sum(e, dst, num_segments=N)
    alpha = e / (denom[dst] + 1e-16)
    # weighted aggregation of source values (scatter-add)
    msg = alpha[:, None] * v[src]
    agg = jax.ops.segment_sum(msg, dst, num_segments=N)
    raw_geo_emb = agg + x @ Wskip
    H_geo = raw_geo_emb @ Wproj + bproj
    return H_geo

if __name__ == "__main__":
    import jax
    _d = setup_inputs()
    print(jax.jit(kernel)(*tuple(_d.values())))

</pallas_src>

<mosaic_0001>
#map = affine_map<(d0, d1) -> (0, 0)>
#map1 = affine_map<(d0, d1) -> (0)>
#map2 = affine_map<(d0, d1) -> (0, 0, 0)>
module attributes {stable_mosaic.version = 14 : i64} {
  func.func @sc_kernel(%arg0: i32, %arg1: i32, %arg2: memref<10000x128xf32, #tpu.memory_space<hbm>>, %arg3: memref<10000x128xf32, #tpu.memory_space<hbm>>, %arg4: memref<10000x128xf32, #tpu.memory_space<hbm>>, %arg5: memref<320000xi32, #tpu.memory_space<hbm>>, %arg6: memref<320000xi32, #tpu.memory_space<hbm>>, %arg7: memref<10000x128xf32, #tpu.memory_space<hbm>>, %arg8: memref<10000xf32, #tpu.memory_space<hbm>>, %arg9: memref<2x10000x128xf32, #tpu.memory_space<hbm>>, %arg10: memref<10000xf32, #tpu.memory_space<hbm>>, %arg11: memref<10000xf32, #tpu.memory_space<hbm>>, %arg12: memref<80xi32, #tpu.memory_space<vmem>>, %arg13: memref<80xi32, #tpu.memory_space<vmem>>, %arg14: memref<80xi32, #tpu.memory_space<vmem>>, %arg15: memref<80xi32, #tpu.memory_space<vmem>>, %arg16: memref<80xi32, #tpu.memory_space<vmem>>, %arg17: memref<80xi32, #tpu.memory_space<vmem>>, %arg18: memref<80x128xf32, #tpu.memory_space<vmem>>, %arg19: memref<80x128xf32, #tpu.memory_space<vmem>>, %arg20: memref<80x128xf32, #tpu.memory_space<vmem>>, %arg21: memref<80x128xf32, #tpu.memory_space<vmem>>, %arg22: memref<80xf32, #tpu.memory_space<vmem>>, %arg23: memref<80xf32, #tpu.memory_space<vmem>>, %arg24: memref<10000x128xf32, #tpu.memory_space<vmem_shared>>, %arg25: memref<10000xf32, #tpu.memory_space<vmem_shared>>, %arg26: memref<!tpu.dma_semaphore, #tpu.memory_space<semaphore_mem>>, %arg27: memref<!tpu.dma_semaphore, #tpu.memory_space<semaphore_mem>>, %arg28: memref<!tpu.dma_semaphore, #tpu.memory_space<semaphore_mem>>, %arg29: memref<!tpu.dma_semaphore, #tpu.memory_space<semaphore_mem>>, %arg30: memref<!tpu.dma_semaphore, #tpu.memory_space<semaphore_mem>>, %arg31: memref<!tpu.dma_semaphore, #tpu.memory_space<semaphore_mem>>, %arg32: memref<!tpu.dma_semaphore, #tpu.memory_space<semaphore_mem>>, %arg33: memref<!tpu.dma_semaphore, #tpu.memory_space<semaphore_mem>>, %arg34: memref<!tpu.dma_semaphore, #tpu.memory_space<semaphore_mem>>, %arg35: memref<!tpu.dma_semaphore, #tpu.memory_space<semaphore_mem>>, %arg36: memref<!tpu.dma_semaphore, #tpu.memory_space<semaphore_mem>>, %arg37: memref<!tpu.dma_semaphore, #tpu.memory_space<semaphore_mem>>) attributes {dimension_semantics = [#tpu.dimension_semantics<core_parallel>, #tpu.dimension_semantics<subcore_parallel>], iteration_bounds = array<i64: 2, 16>, scalar_prefetch = 0 : i64, scratch_operands = 26 : i64, tpu.core_type = #tpu.core_type<sc_vector_subcore>, window_params = [{transform_indices = #map}, {transform_indices = #map}, {transform_indices = #map}, {transform_indices = #map1}, {transform_indices = #map1}, {transform_indices = #map}, {transform_indices = #map1}, {transform_indices = #map2}, {transform_indices = #map1}, {transform_indices = #map1}]} {
    %mul3A = arith.constant 2 : i32
    %mul3A_0 = arith.muli %arg1, %mul3A : i32
    %add3A = arith.addi %mul3A_0, %arg0 : i32
    %mul3A_1 = arith.constant 10000 : i32
    %mul3A_2 = arith.muli %add3A, %mul3A_1 : i32
    %eq3A = arith.constant 0 : i32
    %eq3A_3 = arith.cmpi eq, %arg1, %eq3A : i32
    %convert_element_type3A = arith.extui %eq3A_3 : i1 to i32
    %cond3A = arith.constant 0 : i32
    %cond3A_4 = arith.cmpi ne, %convert_element_type3A, %cond3A : i32
    scf.if %cond3A_4 {
      "tpu.region"() ({
        %run_scoped3A = tpu.sem_alloc : memref<!tpu.dma_semaphore, #tpu.memory_space<semaphore_mem>>
        tpu.enqueue_dma source(%arg7 : memref<10000x128xf32, #tpu.memory_space<hbm>>) target(%arg24 : memref<10000x128xf32, #tpu.memory_space<vmem_shared>>) target_semaphore(%run_scoped3A : memref<!tpu.dma_semaphore, #tpu.memory_space<semaphore_mem>>)
        tpu.wait_dma2 semaphore(%run_scoped3A : memref<!tpu.dma_semaphore, #tpu.memory_space<semaphore_mem>>) src(%arg7 : memref<10000x128xf32, #tpu.memory_space<hbm>>) dst(%arg24 : memref<10000x128xf32, #tpu.memory_space<vmem_shared>>)
        tpu.yield
      }) : () -> ()
      "tpu.region"() ({
        %run_scoped3A = tpu.sem_alloc : memref<!tpu.dma_semaphore, #tpu.memory_space<semaphore_mem>>
        tpu.enqueue_dma source(%arg8 : memref<10000xf32, #tpu.memory_space<hbm>>) target(%arg25 : memref<10000xf32, #tpu.memory_space<vmem_shared>>) target_semaphore(%run_scoped3A : memref<!tpu.dma_semaphore, #tpu.memory_space<semaphore_mem>>)
        tpu.wait_dma2 semaphore(%run_scoped3A : memref<!tpu.dma_semaphore, #tpu.memory_space<semaphore_mem>>) src(%arg8 : memref<10000xf32, #tpu.memory_space<hbm>>) dst(%arg25 : memref<10000xf32, #tpu.memory_space<vmem_shared>>)
        tpu.yield
      }) : () -> ()
    } else {
    }
    %barrier3A = arith.constant 0 : index
    tpu.barrier barrier_id(%barrier3A)
    %iota3A = tpu.iota {dimensions = array<i32: 0>} : vector<16xi32>
    "tpu.region"() ({
      %run_scoped3A = tpu.sem_alloc : memref<!tpu.dma_semaphore, #tpu.memory_space<semaphore_mem>>
      %dma_start3A_84 = tpu.memref_slice %arg5[%mul3A_2] : memref<320000xi32, #tpu.memory_space<hbm>> -> memref<80xi32, #tpu.memory_space<hbm>>
      %dma_start3A_85 = tpu.memref_slice %arg5[%mul3A_2] : memref<320000xi32, #tpu.memory_space<hbm>> -> memref<80xi32, #tpu.memory_space<hbm>>
      tpu.enqueue_dma source(%dma_start3A_85 : memref<80xi32, #tpu.memory_space<hbm>>) target(%arg12 : memref<80xi32, #tpu.memory_space<vmem>>) target_semaphore(%run_scoped3A : memref<!tpu.dma_semaphore, #tpu.memory_space<semaphore_mem>>)
      %dma_wait3A_86 = tpu.memref_slice %arg5[%mul3A_2] : memref<320000xi32, #tpu.memory_space<hbm>> -> memref<80xi32, #tpu.memory_space<hbm>>
      %dma_wait3A_87 = tpu.memref_slice %arg5[%mul3A_2] : memref<320000xi32, #tpu.memory_space<hbm>> -> memref<80xi32, #tpu.memory_space<hbm>>
      tpu.wait_dma2 semaphore(%run_scoped3A : memref<!tpu.dma_semaphore, #tpu.memory_space<semaphore_mem>>) src(%dma_wait3A_87 : memref<80xi32, #tpu.memory_space<hbm>>) dst(%arg12 : memref<80xi32, #tpu.memory_space<vmem>>)
      tpu.yield
    }) : () -> ()
    "tpu.region"() ({
      %run_scoped3A = tpu.sem_alloc : memref<!tpu.dma_semaphore, #tpu.memory_space<semaphore_mem>>
      %dma_start3A_84 = tpu.memref_slice %arg6[%mul3A_2] : memref<320000xi32, #tpu.memory_space<hbm>> -> memref<80xi32, #tpu.memory_space<hbm>>
      %dma_start3A_85 = tpu.memref_slice %arg6[%mul3A_2] : memref<320000xi32, #tpu.memory_space<hbm>> -> memref<80xi32, #tpu.memory_space<hbm>>
      tpu.enqueue_dma source(%dma_start3A_85 : memref<80xi32, #tpu.memory_space<hbm>>) target(%arg14 : memref<80xi32, #tpu.memory_space<vmem>>) target_semaphore(%run_scoped3A : memref<!tpu.dma_semaphore, #tpu.memory_space<semaphore_mem>>)
      %dma_wait3A_86 = tpu.memref_slice %arg6[%mul3A_2] : memref<320000xi32, #tpu.memory_space<hbm>> -> memref<80xi32, #tpu.memory_space<hbm>>
      %dma_wait3A_87 = tpu.memref_slice %arg6[%mul3A_2] : memref<320000xi32, #tpu.memory_space<hbm>> -> memref<80xi32, #tpu.memory_space<hbm>>
      tpu.wait_dma2 semaphore(%run_scoped3A : memref<!tpu.dma_semaphore, #tpu.memory_space<semaphore_mem>>) src(%dma_wait3A_87 : memref<80xi32, #tpu.memory_space<hbm>>) dst(%arg14 : memref<80xi32, #tpu.memory_space<vmem>>)
      tpu.yield
    }) : () -> ()
    %dma_start3A = arith.constant 0 : i32
    %dma_start3A_5 = arith.constant 0 : i32
    %dma_start3A_6 = tpu.memref_slice %arg2[%dma_start3A, %dma_start3A_5] : memref<10000x128xf32, #tpu.memory_space<hbm>> -> memref<10000x128xf32, #tpu.memory_space<hbm>>
    tpu.enqueue_indirect_dma source(%dma_start3A_6 : memref<10000x128xf32, #tpu.memory_space<hbm>>) target(%arg18 : memref<80x128xf32, #tpu.memory_space<vmem>>) offsets(%arg14 : memref<80xi32, #tpu.memory_space<vmem>>) semaphore(%arg30 : memref<!tpu.dma_semaphore, #tpu.memory_space<semaphore_mem>>)
    %dma_start3A_7 = arith.constant 0 : i32
    %dma_start3A_8 = arith.constant 0 : i32
    %dma_start3A_9 = tpu.memref_slice %arg3[%dma_start3A_7, %dma_start3A_8] : memref<10000x128xf32, #tpu.memory_space<hbm>> -> memref<10000x128xf32, #tpu.memory_space<hbm>>
    tpu.enqueue_indirect_dma source(%dma_start3A_9 : memref<10000x128xf32, #tpu.memory_space<hbm>>) target(%arg19 : memref<80x128xf32, #tpu.memory_space<vmem>>) offsets(%arg12 : memref<80xi32, #tpu.memory_space<vmem>>) semaphore(%arg31 : memref<!tpu.dma_semaphore, #tpu.memory_space<semaphore_mem>>)
    %dma_start3A_10 = arith.constant 0 : i32
    %dma_start3A_11 = arith.constant 0 : i32
    %dma_start3A_12 = tpu.memref_slice %arg4[%dma_start3A_10, %dma_start3A_11] : memref<10000x128xf32, #tpu.memory_space<hbm>> -> memref<10000x128xf32, #tpu.memory_space<hbm>>
    tpu.enqueue_indirect_dma source(%dma_start3A_12 : memref<10000x128xf32, #tpu.memory_space<hbm>>) target(%arg20 : memref<80x128xf32, #tpu.memory_space<vmem>>) offsets(%arg12 : memref<80xi32, #tpu.memory_space<vmem>>) semaphore(%arg32 : memref<!tpu.dma_semaphore, #tpu.memory_space<semaphore_mem>>)
    %add3A_13 = arith.constant 80 : i32
    %add3A_14 = arith.addi %mul3A_2, %add3A_13 : i32
    %dma_start3A_15 = tpu.memref_slice %arg5[%add3A_14] : memref<320000xi32, #tpu.memory_space<hbm>> -> memref<80xi32, #tpu.memory_space<hbm>>
    %dma_start3A_16 = tpu.memref_slice %arg5[%add3A_14] : memref<320000xi32, #tpu.memory_space<hbm>> -> memref<80xi32, #tpu.memory_space<hbm>>
    tpu.enqueue_dma source(%dma_start3A_16 : memref<80xi32, #tpu.memory_space<hbm>>) target(%arg13 : memref<80xi32, #tpu.memory_space<vmem>>) target_semaphore(%arg27 : memref<!tpu.dma_semaphore, #tpu.memory_space<semaphore_mem>>)
    %dma_start3A_17 = tpu.memref_slice %arg6[%add3A_14] : memref<320000xi32, #tpu.memory_space<hbm>> -> memref<80xi32, #tpu.memory_space<hbm>>
    %dma_start3A_18 = tpu.memref_slice %arg6[%add3A_14] : memref<320000xi32, #tpu.memory_space<hbm>> -> memref<80xi32, #tpu.memory_space<hbm>>
    tpu.enqueue_dma source(%dma_start3A_18 : memref<80xi32, #tpu.memory_space<hbm>>) target(%arg15 : memref<80xi32, #tpu.memory_space<vmem>>) target_semaphore(%arg29 : memref<!tpu.dma_semaphore, #tpu.memory_space<semaphore_mem>>)
    %scan3A = arith.constant 0 : i32
    %scan3A_19 = arith.constant 62 : i32
    %scan3A_20 = arith.addi %scan3A, %scan3A_19 : i32
    %scan3A_21 = arith.constant 1 : i32
    scf.for %scan3A_84 = %scan3A to %scan3A_20 step %scan3A_21  : i32 {
      %mul3A_85 = arith.constant 2 : i32
      %mul3A_86 = arith.muli %mul3A_85, %scan3A_84 : i32
      %dma_wait3A_87 = arith.constant 0 : i32
      %dma_wait3A_88 = arith.constant 0 : i32
      %dma_wait3A_89 = tpu.memref_slice %arg2[%dma_wait3A_87, %dma_wait3A_88] : memref<10000x128xf32, #tpu.memory_space<hbm>> -> memref<10000x128xf32, #tpu.memory_space<hbm>>
      tpu.wait_indirect_dma semaphore(%arg30 : memref<!tpu.dma_semaphore, #tpu.memory_space<semaphore_mem>>) src(%dma_wait3A_89 : memref<10000x128xf32, #tpu.memory_space<hbm>>) dst(%arg18 : memref<80x128xf32, #tpu.memory_space<vmem>>)
      %dma_wait3A_90 = arith.constant 0 : i32
      %dma_wait3A_91 = arith.constant 0 : i32
      %dma_wait3A_92 = tpu.memref_slice %arg3[%dma_wait3A_90, %dma_wait3A_91] : memref<10000x128xf32, #tpu.memory_space<hbm>> -> memref<10000x128xf32, #tpu.memory_space<hbm>>
      tpu.wait_indirect_dma semaphore(%arg31 : memref<!tpu.dma_semaphore, #tpu.memory_space<semaphore_mem>>) src(%dma_wait3A_92 : memref<10000x128xf32, #tpu.memory_space<hbm>>) dst(%arg19 : memref<80x128xf32, #tpu.memory_space<vmem>>)
      %ge3A = arith.constant 2 : i32
      %ge3A_93 = arith.cmpi sge, %mul3A_86, %ge3A : i32
      %convert_element_type3A_94 = arith.extui %ge3A_93 : i1 to i32
      %cond3A_95 = arith.constant 0 : i32
      %cond3A_96 = arith.cmpi ne, %convert_element_type3A_94, %cond3A_95 : i32
      scf.if %cond3A_96 {
        %dma_wait3A_215 = arith.constant 0 : i32
        %dma_wait3A_216 = tpu.memref_slice %arg25[%dma_wait3A_215] : memref<10000xf32, #tpu.memory_space<vmem_shared>> -> memref<10000xf32, #tpu.memory_space<vmem_shared>>
        tpu.wait_indirect_dma semaphore(%arg36 : memref<!tpu.dma_semaphore, #tpu.memory_space<semaphore_mem>>) src(%arg22 : memref<80xf32, #tpu.memory_space<vmem>>) dst(%dma_wait3A_216 : memref<10000xf32, #tpu.memory_space<vmem_shared>>)
      } else {
      }
      %scan3A_97 = arith.constant 0 : i32
      %scan3A_98 = arith.constant 5 : i32
      %scan3A_99 = arith.addi %scan3A_97, %scan3A_98 : i32
      %scan3A_100 = arith.constant 1 : i32
      scf.for %scan3A_215 = %scan3A_97 to %scan3A_99 step %scan3A_100  : i32 {
        %mul3A_216 = arith.constant 16 : i32
        %mul3A_217 = arith.muli %scan3A_215, %mul3A_216 : i32
        %broadcast_in_dim3A = arith.constant 0.000000e+00 : f32
        %broadcast_in_dim3A_218 = vector.broadcast %broadcast_in_dim3A : f32 to vector<16xf32>
        %scan3A_219 = arith.constant 0 : i32
        %scan3A_220 = arith.constant 16 : i32
        %scan3A_221 = arith.addi %scan3A_219, %scan3A_220 : i32
        %scan3A_222 = arith.constant 1 : i32
        %scan3A_223 = scf.for %scan3A_229 = %scan3A_219 to %scan3A_221 step %scan3A_222 iter_args(%scan3A_230 = %broadcast_in_dim3A_218) -> (vector<16xf32>)  : i32 {
          %add3A_231 = arith.addi %mul3A_217, %scan3A_229 : i32
          %get3A = arith.index_cast %add3A_231 : i32 to index
          %get3A_232 = arith.constant 0 : index
          %get3A_233 = tpu.vector_load %arg18[%get3A, %get3A_232] {strides = array<i32>} : memref<80x128xf32, #tpu.memory_space<vmem>>, vector<16xf32>,
          %get3A_234 = arith.index_cast %add3A_231 : i32 to index
          %get3A_235 = arith.constant 0 : index
          %get3A_236 = tpu.vector_load %arg19[%get3A_234, %get3A_235] {strides = array<i32>} : memref<80x128xf32, #tpu.memory_space<vmem>>, vector<16xf32>,
          %mul3A_237 = arith.mulf %get3A_233, %get3A_236 : vector<16xf32>
          %get3A_238 = arith.index_cast %add3A_231 : i32 to index
          %get3A_239 = arith.constant 16 : index
          %get3A_240 = tpu.vector_load %arg18[%get3A_238, %get3A_239] {strides = array<i32>} : memref<80x128xf32, #tpu.memory_space<vmem>>, vector<16xf32>,
          %get3A_241 = arith.index_cast %add3A_231 : i32 to index
          %get3A_242 = arith.constant 16 : index
          %get3A_243 = tpu.vector_load %arg19[%get3A_241, %get3A_242] {strides = array<i32>} : memref<80x128xf32, #tpu.memory_space<vmem>>, vector<16xf32>,
          %mul3A_244 = arith.mulf %get3A_240, %get3A_243 : vector<16xf32>
          %add3A_245 = arith.addf %mul3A_237, %mul3A_244 : vector<16xf32>
          %get3A_246 = arith.index_cast %add3A_231 : i32 to index
          %get3A_247 = arith.constant 32 : index
          %get3A_248 = tpu.vector_load %arg18[%get3A_246, %get3A_247] {strides = array<i32>} : memref<80x128xf32, #tpu.memory_space<vmem>>, vector<16xf32>,
          %get3A_249 = arith.index_cast %add3A_231 : i32 to index
          %get3A_250 = arith.constant 32 : index
          %get3A_251 = tpu.vector_load %arg19[%get3A_249, %get3A_250] {strides = array<i32>} : memref<80x128xf32, #tpu.memory_space<vmem>>, vector<16xf32>,
          %mul3A_252 = arith.mulf %get3A_248, %get3A_251 : vector<16xf32>
          %add3A_253 = arith.addf %add3A_245, %mul3A_252 : vector<16xf32>
          %get3A_254 = arith.index_cast %add3A_231 : i32 to index
          %get3A_255 = arith.constant 48 : index
          %get3A_256 = tpu.vector_load %arg18[%get3A_254, %get3A_255] {strides = array<i32>} : memref<80x128xf32, #tpu.memory_space<vmem>>, vector<16xf32>,
          %get3A_257 = arith.index_cast %add3A_231 : i32 to index
          %get3A_258 = arith.constant 48 : index
          %get3A_259 = tpu.vector_load %arg19[%get3A_257, %get3A_258] {strides = array<i32>} : memref<80x128xf32, #tpu.memory_space<vmem>>, vector<16xf32>,
          %mul3A_260 = arith.mulf %get3A_256, %get3A_259 : vector<16xf32>
          %add3A_261 = arith.addf %add3A_253, %mul3A_260 : vector<16xf32>
          %get3A_262 = arith.index_cast %add3A_231 : i32 to index
          %get3A_263 = arith.constant 64 : index
          %get3A_264 = tpu.vector_load %arg18[%get3A_262, %get3A_263] {strides = array<i32>} : memref<80x128xf32, #tpu.memory_space<vmem>>, vector<16xf32>,
          %get3A_265 = arith.index_cast %add3A_231 : i32 to index
          %get3A_266 = arith.constant 64 : index
          %get3A_267 = tpu.vector_load %arg19[%get3A_265, %get3A_266] {strides = array<i32>} : memref<80x128xf32, #tpu.memory_space<vmem>>, vector<16xf32>,
          %mul3A_268 = arith.mulf %get3A_264, %get3A_267 : vector<16xf32>
          %add3A_269 = arith.addf %add3A_261, %mul3A_268 : vector<16xf32>
          %get3A_270 = arith.index_cast %add3A_231 : i32 to index
          %get3A_271 = arith.constant 80 : index
          %get3A_272 = tpu.vector_load %arg18[%get3A_270, %get3A_271] {strides = array<i32>} : memref<80x128xf32, #tpu.memory_space<vmem>>, vector<16xf32>,
          %get3A_273 = arith.index_cast %add3A_231 : i32 to index
          %get3A_274 = arith.constant 80 : index
          %get3A_275 = tpu.vector_load %arg19[%get3A_273, %get3A_274] {strides = array<i32>} : memref<80x128xf32, #tpu.memory_space<vmem>>, vector<16xf32>,
          %mul3A_276 = arith.mulf %get3A_272, %get3A_275 : vector<16xf32>
          %add3A_277 = arith.addf %add3A_269, %mul3A_276 : vector<16xf32>
          %get3A_278 = arith.index_cast %add3A_231 : i32 to index
          %get3A_279 = arith.constant 96 : index
          %get3A_280 = tpu.vector_load %arg18[%get3A_278, %get3A_279] {strides = array<i32>} : memref<80x128xf32, #tpu.memory_space<vmem>>, vector<16xf32>,
          %get3A_281 = arith.index_cast %add3A_231 : i32 to index
          %get3A_282 = arith.constant 96 : index
          %get3A_283 = tpu.vector_load %arg19[%get3A_281, %get3A_282] {strides = array<i32>} : memref<80x128xf32, #tpu.memory_space<vmem>>, vector<16xf32>,
          %mul3A_284 = arith.mulf %get3A_280, %get3A_283 : vector<16xf32>
          %add3A_285 = arith.addf %add3A_277, %mul3A_284 : vector<16xf32>
          %get3A_286 = arith.index_cast %add3A_231 : i32 to index
          %get3A_287 = arith.constant 112 : index
          %get3A_288 = tpu.vector_load %arg18[%get3A_286, %get3A_287] {strides = array<i32>} : memref<80x128xf32, #tpu.memory_space<vmem>>, vector<16xf32>,
          %get3A_289 = arith.index_cast %add3A_231 : i32 to index
          %get3A_290 = arith.constant 112 : index
          %get3A_291 = tpu.vector_load %arg19[%get3A_289, %get3A_290] {strides = array<i32>} : memref<80x128xf32, #tpu.memory_space<vmem>>, vector<16xf32>,
          %mul3A_292 = arith.mulf %get3A_288, %get3A_291 : vector<16xf32>
          %add3A_293 = arith.addf %add3A_285, %mul3A_292 : vector<16xf32>
          %eq3A_294 = vector.broadcast %scan3A_229 : i32 to vector<16xi32>
          %eq3A_295 = arith.cmpi eq, %iota3A, %eq3A_294 : vector<16xi32>
          %reduce_sum3A = arith.constant true
          %reduce_sum3A_296 = vector.broadcast %reduce_sum3A : i1 to vector<16xi1>
          %reduce_sum3A_297 = tpu.scan <sum>, %add3A_293 masked %reduce_sum3A_296 : vector<16xf32>, vector<16xi1> -> vector<16xf32>
          %reduce_sum3A_298 = vector.extract %reduce_sum3A_297[15] : f32 from vector<16xf32>
          %broadcast_in_dim3A_299 = vector.broadcast %reduce_sum3A_298 : f32 to vector<16xf32>
          %select_n3A = arith.select %eq3A_295, %broadcast_in_dim3A_299, %scan3A_230 : vector<16xi1>, vector<16xf32>
          scf.yield %select_n3A : vector<16xf32>
        }
        %scan3A_224 = arith.constant 16 : i32
        %jit3A = arith.constant -6.000000e+01 : f32
        %jit3A_225 = arith.constant 6.000000e+01 : f32
        %max3A = vector.broadcast %jit3A : f32 to vector<16xf32>
        %max3A_226 = arith.maximumf %max3A, %scan3A_223 : vector<16xf32>
        %min3A = vector.broadcast %jit3A_225 : f32 to vector<16xf32>
        %min3A_227 = arith.minimumf %min3A, %max3A_226 : vector<16xf32>
        %exp3A = math.exp %min3A_227 : vector<16xf32>
        %swap3A = arith.index_cast %mul3A_217 : i32 to index
        %swap3A_228 = tpu.vector_load %arg22[%swap3A] {strides = array<i32>} : memref<80xf32, #tpu.memory_space<vmem>>, vector<16xf32>,
        tpu.vector_store %arg22[%swap3A], %exp3A {strides = array<i32>} : memref<80xf32, #tpu.memory_space<vmem>>, vector<16xf32>,
      }
      %scan3A_101 = arith.constant 5 : i32
      %dma_wait3A_102 = arith.constant 0 : i32
      %dma_wait3A_103 = tpu.memref_slice %arg5[%dma_wait3A_102] : memref<320000xi32, #tpu.memory_space<hbm>> -> memref<80xi32, #tpu.memory_space<hbm>>
      %dma_wait3A_104 = arith.constant 0 : i32
      %dma_wait3A_105 = tpu.memref_slice %arg5[%dma_wait3A_104] : memref<320000xi32, #tpu.memory_space<hbm>> -> memref<80xi32, #tpu.memory_space<hbm>>
      tpu.wait_dma2 semaphore(%arg27 : memref<!tpu.dma_semaphore, #tpu.memory_space<semaphore_mem>>) src(%dma_wait3A_105 : memref<80xi32, #tpu.memory_space<hbm>>) dst(%arg13 : memref<80xi32, #tpu.memory_space<vmem>>)
      %dma_wait3A_106 = arith.constant 0 : i32
      %dma_wait3A_107 = tpu.memref_slice %arg6[%dma_wait3A_106] : memref<320000xi32, #tpu.memory_space<hbm>> -> memref<80xi32, #tpu.memory_space<hbm>>
      %dma_wait3A_108 = arith.constant 0 : i32
      %dma_wait3A_109 = tpu.memref_slice %arg6[%dma_wait3A_108] : memref<320000xi32, #tpu.memory_space<hbm>> -> memref<80xi32, #tpu.memory_space<hbm>>
      tpu.wait_dma2 semaphore(%arg29 : memref<!tpu.dma_semaphore, #tpu.memory_space<semaphore_mem>>) src(%dma_wait3A_109 : memref<80xi32, #tpu.memory_space<hbm>>) dst(%arg15 : memref<80xi32, #tpu.memory_space<vmem>>)
      %dma_start3A_110 = arith.constant 0 : i32
      %dma_start3A_111 = arith.constant 0 : i32
      %dma_start3A_112 = tpu.memref_slice %arg2[%dma_start3A_110, %dma_start3A_111] : memref<10000x128xf32, #tpu.memory_space<hbm>> -> memref<10000x128xf32, #tpu.memory_space<hbm>>
      tpu.enqueue_indirect_dma source(%dma_start3A_112 : memref<10000x128xf32, #tpu.memory_space<hbm>>) target(%arg18 : memref<80x128xf32, #tpu.memory_space<vmem>>) offsets(%arg15 : memref<80xi32, #tpu.memory_space<vmem>>) semaphore(%arg30 : memref<!tpu.dma_semaphore, #tpu.memory_space<semaphore_mem>>)
      %dma_start3A_113 = arith.constant 0 : i32
      %dma_start3A_114 = arith.constant 0 : i32
      %dma_start3A_115 = tpu.memref_slice %arg3[%dma_start3A_113, %dma_start3A_114] : memref<10000x128xf32, #tpu.memory_space<hbm>> -> memref<10000x128xf32, #tpu.memory_space<hbm>>
      tpu.enqueue_indirect_dma source(%dma_start3A_115 : memref<10000x128xf32, #tpu.memory_space<hbm>>) target(%arg19 : memref<80x128xf32, #tpu.memory_space<vmem>>) offsets(%arg13 : memref<80xi32, #tpu.memory_space<vmem>>) semaphore(%arg31 : memref<!tpu.dma_semaphore, #tpu.memory_space<semaphore_mem>>)
      %ge3A_116 = arith.constant 1 : i32
      %ge3A_117 = arith.cmpi sge, %mul3A_86, %ge3A_116 : i32
      %convert_element_type3A_118 = arith.extui %ge3A_117 : i1 to i32
      %cond3A_119 = arith.constant 0 : i32
      %cond3A_120 = arith.cmpi ne, %convert_element_type3A_118, %cond3A_119 : i32
      scf.if %cond3A_120 {
        %dma_wait3A_215 = arith.constant 0 : i32
        %dma_wait3A_216 = arith.constant 0 : i32
        %dma_wait3A_217 = tpu.memref_slice %arg24[%dma_wait3A_215, %dma_wait3A_216] : memref<10000x128xf32, #tpu.memory_space<vmem_shared>> -> memref<10000x128xf32, #tpu.memory_space<vmem_shared>>
        tpu.wait_indirect_dma semaphore(%arg35 : memref<!tpu.dma_semaphore, #tpu.memory_space<semaphore_mem>>) src(%arg21 : memref<80x128xf32, #tpu.memory_space<vmem>>) dst(%dma_wait3A_217 : memref<10000x128xf32, #tpu.memory_space<vmem_shared>>)
      } else {
      }
      %dma_start3A_121 = arith.constant 0 : i32
      %dma_start3A_122 = arith.constant 0 : i32
      %dma_start3A_123 = tpu.memref_slice %arg4[%dma_start3A_121, %dma_start3A_122] : memref<10000x128xf32, #tpu.memory_space<hbm>> -> memref<10000x128xf32, #tpu.memory_space<hbm>>
      tpu.enqueue_indirect_dma source(%dma_start3A_123 : memref<10000x128xf32, #tpu.memory_space<hbm>>) target(%arg21 : memref<80x128xf32, #tpu.memory_space<vmem>>) offsets(%arg13 : memref<80xi32, #tpu.memory_space<vmem>>) semaphore(%arg33 : memref<!tpu.dma_semaphore, #tpu.memory_space<semaphore_mem>>)
      %scan3A_124 = arith.constant 0 : i32
      %scan3A_125 = arith.constant 5 : i32
      %scan3A_126 = arith.addi %scan3A_124, %scan3A_125 : i32
      %scan3A_127 = arith.constant 1 : i32
      scf.for %scan3A_215 = %scan3A_124 to %scan3A_126 step %scan3A_127  : i32 {
        %mul3A_216 = arith.constant 16 : i32
        %mul3A_217 = arith.muli %scan3A_215, %mul3A_216 : i32
        %get3A = arith.index_cast %mul3A_217 : i32 to index
        %get3A_218 = tpu.vector_load %arg14[%get3A] {strides = array<i32>} : memref<80xi32, #tpu.memory_space<vmem>>, vector<16xi32>,
        %swap3A = arith.index_cast %mul3A_217 : i32 to index
        %swap3A_219 = tpu.vector_load %arg16[%swap3A] {strides = array<i32>} : memref<80xi32, #tpu.memory_space<vmem>>, vector<16xi32>,
        tpu.vector_store %arg16[%swap3A], %get3A_218 {strides = array<i32>} : memref<80xi32, #tpu.memory_space<vmem>>, vector<16xi32>,
      }
      %scan3A_128 = arith.constant 5 : i32
      %dma_wait3A_129 = arith.constant 0 : i32
      %dma_wait3A_130 = arith.constant 0 : i32
      %dma_wait3A_131 = tpu.memref_slice %arg4[%dma_wait3A_129, %dma_wait3A_130] : memref<10000x128xf32, #tpu.memory_space<hbm>> -> memref<10000x128xf32, #tpu.memory_space<hbm>>
      tpu.wait_indirect_dma semaphore(%arg32 : memref<!tpu.dma_semaphore, #tpu.memory_space<semaphore_mem>>) src(%dma_wait3A_131 : memref<10000x128xf32, #tpu.memory_space<hbm>>) dst(%arg20 : memref<80x128xf32, #tpu.memory_space<vmem>>)
      %add3A_132 = arith.constant 2 : i32
      %add3A_133 = arith.addi %mul3A_86, %add3A_132 : i32
      %lt3A = arith.constant 125 : i32
      %lt3A_134 = arith.cmpi slt, %add3A_133, %lt3A : i32
      %convert_element_type3A_135 = arith.extui %lt3A_134 : i1 to i32
      %cond3A_136 = arith.constant 0 : i32
      %cond3A_137 = arith.cmpi ne, %convert_element_type3A_135, %cond3A_136 : i32
      scf.if %cond3A_137 {
        %add3A_215 = arith.constant 2 : i32
        %add3A_216 = arith.addi %mul3A_86, %add3A_215 : i32
        %mul3A_217 = arith.constant 80 : i32
        %mul3A_218 = arith.muli %add3A_216, %mul3A_217 : i32
        %add3A_219 = arith.addi %mul3A_2, %mul3A_218 : i32
        %dma_start3A_220 = tpu.memref_slice %arg5[%add3A_219] : memref<320000xi32, #tpu.memory_space<hbm>> -> memref<80xi32, #tpu.memory_space<hbm>>
        %dma_start3A_221 = tpu.memref_slice %arg5[%add3A_219] : memref<320000xi32, #tpu.memory_space<hbm>> -> memref<80xi32, #tpu.memory_space<hbm>>
        tpu.enqueue_dma source(%dma_start3A_221 : memref<80xi32, #tpu.memory_space<hbm>>) target(%arg12 : memref<80xi32, #tpu.memory_space<vmem>>) target_semaphore(%arg26 : memref<!tpu.dma_semaphore, #tpu.memory_space<semaphore_mem>>)
        %dma_start3A_222 = tpu.memref_slice %arg6[%add3A_219] : memref<320000xi32, #tpu.memory_space<hbm>> -> memref<80xi32, #tpu.memory_space<hbm>>
        %dma_start3A_223 = tpu.memref_slice %arg6[%add3A_219] : memref<320000xi32, #tpu.memory_space<hbm>> -> memref<80xi32, #tpu.memory_space<hbm>>
        tpu.enqueue_dma source(%dma_start3A_223 : memref<80xi32, #tpu.memory_space<hbm>>) target(%arg14 : memref<80xi32, #tpu.memory_space<vmem>>) target_semaphore(%arg28 : memref<!tpu.dma_semaphore, #tpu.memory_space<semaphore_mem>>)
      } else {
      }
      %scan3A_138 = arith.constant 0 : i32
      %scan3A_139 = arith.constant 80 : i32
      %scan3A_140 = arith.addi %scan3A_138, %scan3A_139 : i32
      %scan3A_141 = arith.constant 1 : i32
      scf.for %scan3A_215 = %scan3A_138 to %scan3A_140 step %scan3A_141  : i32 {
        %broadcast_in_dim3A = vector.broadcast %scan3A_215 : i32 to vector<16xi32>
        %gather3A = tpu.vector_load_idx %arg22[%broadcast_in_dim3A] : memref<80xf32, #tpu.memory_space<vmem>>[vector<16xi32>], vector<16xf32>,
        %get3A = arith.index_cast %scan3A_215 : i32 to index
        %get3A_216 = arith.constant 0 : index
        %get3A_217 = tpu.vector_load %arg20[%get3A, %get3A_216] {strides = array<i32>} : memref<80x128xf32, #tpu.memory_space<vmem>>, vector<16xf32>,
        %mul3A_218 = arith.mulf %get3A_217, %gather3A : vector<16xf32>
        %swap3A = arith.index_cast %scan3A_215 : i32 to index
        %swap3A_219 = arith.constant 0 : index
        %swap3A_220 = tpu.vector_load %arg20[%swap3A, %swap3A_219] {strides = array<i32>} : memref<80x128xf32, #tpu.memory_space<vmem>>, vector<16xf32>,
        tpu.vector_store %arg20[%swap3A, %swap3A_219], %mul3A_218 {strides = array<i32>} : memref<80x128xf32, #tpu.memory_space<vmem>>, vector<16xf32>,
        %get3A_221 = arith.index_cast %scan3A_215 : i32 to index
        %get3A_222 = arith.constant 16 : index
        %get3A_223 = tpu.vector_load %arg20[%get3A_221, %get3A_222] {strides = array<i32>} : memref<80x128xf32, #tpu.memory_space<vmem>>, vector<16xf32>,
        %mul3A_224 = arith.mulf %get3A_223, %gather3A : vector<16xf32>
        %swap3A_225 = arith.index_cast %scan3A_215 : i32 to index
        %swap3A_226 = arith.constant 16 : index
        %swap3A_227 = tpu.vector_load %arg20[%swap3A_225, %swap3A_226] {strides = array<i32>} : memref<80x128xf32, #tpu.memory_space<vmem>>, vector<16xf32>,
        tpu.vector_store %arg20[%swap3A_225, %swap3A_226], %mul3A_224 {strides = array<i32>} : memref<80x128xf32, #tpu.memory_space<vmem>>, vector<16xf32>,
        %get3A_228 = arith.index_cast %scan3A_215 : i32 to index
        %get3A_229 = arith.constant 32 : index
        %get3A_230 = tpu.vector_load %arg20[%get3A_228, %get3A_229] {strides = array<i32>} : memref<80x128xf32, #tpu.memory_space<vmem>>, vector<16xf32>,
        %mul3A_231 = arith.mulf %get3A_230, %gather3A : vector<16xf32>
        %swap3A_232 = arith.index_cast %scan3A_215 : i32 to index
        %swap3A_233 = arith.constant 32 : index
        %swap3A_234 = tpu.vector_load %arg20[%swap3A_232, %swap3A_233] {strides = array<i32>} : memref<80x128xf32, #tpu.memory_space<vmem>>, vector<16xf32>,
        tpu.vector_store %arg20[%swap3A_232, %swap3A_233], %mul3A_231 {strides = array<i32>} : memref<80x128xf32, #tpu.memory_space<vmem>>, vector<16xf32>,
        %get3A_235 = arith.index_cast %scan3A_215 : i32 to index
        %get3A_236 = arith.constant 48 : index
        %get3A_237 = tpu.vector_load %arg20[%get3A_235, %get3A_236] {strides = array<i32>} : memref<80x128xf32, #tpu.memory_space<vmem>>, vector<16xf32>,
        %mul3A_238 = arith.mulf %get3A_237, %gather3A : vector<16xf32>
        %swap3A_239 = arith.index_cast %scan3A_215 : i32 to index
        %swap3A_240 = arith.constant 48 : index
        %swap3A_241 = tpu.vector_load %arg20[%swap3A_239, %swap3A_240] {strides = array<i32>} : memref<80x128xf32, #tpu.memory_space<vmem>>, vector<16xf32>,
        tpu.vector_store %arg20[%swap3A_239, %swap3A_240], %mul3A_238 {strides = array<i32>} : memref<80x128xf32, #tpu.memory_space<vmem>>, vector<16xf32>,
        %get3A_242 = arith.index_cast %scan3A_215 : i32 to index
        %get3A_243 = arith.constant 64 : index
        %get3A_244 = tpu.vector_load %arg20[%get3A_242, %get3A_243] {strides = array<i32>} : memref<80x128xf32, #tpu.memory_space<vmem>>, vector<16xf32>,
        %mul3A_245 = arith.mulf %get3A_244, %gather3A : vector<16xf32>
        %swap3A_246 = arith.index_cast %scan3A_215 : i32 to index
        %swap3A_247 = arith.constant 64 : index
        %swap3A_248 = tpu.vector_load %arg20[%swap3A_246, %swap3A_247] {strides = array<i32>} : memref<80x128xf32, #tpu.memory_space<vmem>>, vector<16xf32>,
        tpu.vector_store %arg20[%swap3A_246, %swap3A_247], %mul3A_245 {strides = array<i32>} : memref<80x128xf32, #tpu.memory_space<vmem>>, vector<16xf32>,
        %get3A_249 = arith.index_cast %scan3A_215 : i32 to index
        %get3A_250 = arith.constant 80 : index
        %get3A_251 = tpu.vector_load %arg20[%get3A_249, %get3A_250] {strides = array<i32>} : memref<80x128xf32, #tpu.memory_space<vmem>>, vector<16xf32>,
        %mul3A_252 = arith.mulf %get3A_251, %gather3A : vector<16xf32>
        %swap3A_253 = arith.index_cast %scan3A_215 : i32 to index
        %swap3A_254 = arith.constant 80 : index
        %swap3A_255 = tpu.vector_load %arg20[%swap3A_253, %swap3A_254] {strides = array<i32>} : memref<80x128xf32, #tpu.memory_space<vmem>>, vector<16xf32>,
        tpu.vector_store %arg20[%swap3A_253, %swap3A_254], %mul3A_252 {strides = array<i32>} : memref<80x128xf32, #tpu.memory_space<vmem>>, vector<16xf32>,
        %get3A_256 = arith.index_cast %scan3A_215 : i32 to index
        %get3A_257 = arith.constant 96 : index
        %get3A_258 = tpu.vector_load %arg20[%get3A_256, %get3A_257] {strides = array<i32>} : memref<80x128xf32, #tpu.memory_space<vmem>>, vector<16xf32>,
        %mul3A_259 = arith.mulf %get3A_258, %gather3A : vector<16xf32>
        %swap3A_260 = arith.index_cast %scan3A_215 : i32 to index
        %swap3A_261 = arith.constant 96 : index
        %swap3A_262 = tpu.vector_load %arg20[%swap3A_260, %swap3A_261] {strides = array<i32>} : memref<80x128xf32, #tpu.memory_space<vmem>>, vector<16xf32>,
        tpu.vector_store %arg20[%swap3A_260, %swap3A_261], %mul3A_259 {strides = array<i32>} : memref<80x128xf32, #tpu.memory_space<vmem>>, vector<16xf32>,
        %get3A_263 = arith.index_cast %scan3A_215 : i32 to index
        %get3A_264 = arith.constant 112 : index
        %get3A_265 = tpu.vector_load %arg20[%get3A_263, %get3A_264] {strides = array<i32>} : memref<80x128xf32, #tpu.memory_space<vmem>>, vector<16xf32>,
        %mul3A_266 = arith.mulf %get3A_265, %gather3A : vector<16xf32>
        %swap3A_267 = arith.index_cast %scan3A_215 : i32 to index
        %swap3A_268 = arith.constant 112 : index
        %swap3A_269 = tpu.vector_load %arg20[%swap3A_267, %swap3A_268] {strides = array<i32>} : memref<80x128xf32, #tpu.memory_space<vmem>>, vector<16xf32>,
        tpu.vector_store %arg20[%swap3A_267, %swap3A_268], %mul3A_266 {strides = array<i32>} : memref<80x128xf32, #tpu.memory_space<vmem>>, vector<16xf32>,
      }
      %scan3A_142 = arith.constant 80 : i32
      %dma_start3A_143 = arith.constant 0 : i32
      %dma_start3A_144 = arith.constant 0 : i32
      %dma_start3A_145 = tpu.memref_slice %arg24[%dma_start3A_143, %dma_start3A_144] : memref<10000x128xf32, #tpu.memory_space<vmem_shared>> -> memref<10000x128xf32, #tpu.memory_space<vmem_shared>>
      tpu.enqueue_indirect_dma source(%arg20 : memref<80x128xf32, #tpu.memory_space<vmem>>) target(%dma_start3A_145 : memref<10000x128xf32, #tpu.memory_space<vmem_shared>>) offsets(%arg16 : memref<80xi32, #tpu.memory_space<vmem>>) semaphore(%arg34 : memref<!tpu.dma_semaphore, #tpu.memory_space<semaphore_mem>>) {add = true}
      %dma_start3A_146 = arith.constant 0 : i32
      %dma_start3A_147 = tpu.memref_slice %arg25[%dma_start3A_146] : memref<10000xf32, #tpu.memory_space<vmem_shared>> -> memref<10000xf32, #tpu.memory_space<vmem_shared>>
      tpu.enqueue_indirect_dma source(%arg22 : memref<80xf32, #tpu.memory_space<vmem>>) target(%dma_start3A_147 : memref<10000xf32, #tpu.memory_space<vmem_shared>>) offsets(%arg16 : memref<80xi32, #tpu.memory_space<vmem>>) semaphore(%arg36 : memref<!tpu.dma_semaphore, #tpu.memory_space<semaphore_mem>>) {add = true}
      %mul3A_148 = arith.constant 2 : i32
      %mul3A_149 = arith.muli %mul3A_148, %scan3A_84 : i32
      %add3A_150 = arith.constant 1 : i32
      %add3A_151 = arith.addi %mul3A_149, %add3A_150 : i32
      %dma_wait3A_152 = arith.constant 0 : i32
      %dma_wait3A_153 = arith.constant 0 : i32
      %dma_wait3A_154 = tpu.memref_slice %arg2[%dma_wait3A_152, %dma_wait3A_153] : memref<10000x128xf32, #tpu.memory_space<hbm>> -> memref<10000x128xf32, #tpu.memory_space<hbm>>
      tpu.wait_indirect_dma semaphore(%arg30 : memref<!tpu.dma_semaphore, #tpu.memory_space<semaphore_mem>>) src(%dma_wait3A_154 : memref<10000x128xf32, #tpu.memory_space<hbm>>) dst(%arg18 : memref<80x128xf32, #tpu.memory_space<vmem>>)
      %dma_wait3A_155 = arith.constant 0 : i32
      %dma_wait3A_156 = arith.constant 0 : i32
      %dma_wait3A_157 = tpu.memref_slice %arg3[%dma_wait3A_155, %dma_wait3A_156] : memref<10000x128xf32, #tpu.memory_space<hbm>> -> memref<10000x128xf32, #tpu.memory_space<hbm>>
      tpu.wait_indirect_dma semaphore(%arg31 : memref<!tpu.dma_semaphore, #tpu.memory_space<semaphore_mem>>) src(%dma_wait3A_157 : memref<10000x128xf32, #tpu.memory_space<hbm>>) dst(%arg19 : memref<80x128xf32, #tpu.memory_space<vmem>>)
      %ge3A_158 = arith.constant 2 : i32
      %ge3A_159 = arith.cmpi sge, %add3A_151, %ge3A_158 : i32
      %convert_element_type3A_160 = arith.extui %ge3A_159 : i1 to i32
      %cond3A_161 = arith.constant 0 : i32
      %cond3A_162 = arith.cmpi ne, %convert_element_type3A_160, %cond3A_161 : i32
      scf.if %cond3A_162 {
        %dma_wait3A_215 = arith.constant 0 : i32
        %dma_wait3A_216 = tpu.memref_slice %arg25[%dma_wait3A_215] : memref<10000xf32, #tpu.memory_space<vmem_shared>> -> memref<10000xf32, #tpu.memory_space<vmem_shared>>
        tpu.wait_indirect_dma semaphore(%arg37 : memref<!tpu.dma_semaphore, #tpu.memory_space<semaphore_mem>>) src(%arg23 : memref<80xf32, #tpu.memory_space<vmem>>) dst(%dma_wait3A_216 : memref<10000xf32, #tpu.memory_space<vmem_shared>>)
      } else {
      }
      %scan3A_163 = arith.constant 0 : i32
      %scan3A_164 = arith.constant 5 : i32
      %scan3A_165 = arith.addi %scan3A_163, %scan3A_164 : i32
      %scan3A_166 = arith.constant 1 : i32
      scf.for %scan3A_215 = %scan3A_163 to %scan3A_165 step %scan3A_166  : i32 {
        %mul3A_216 = arith.constant 16 : i32
        %mul3A_217 = arith.muli %scan3A_215, %mul3A_216 : i32
        %broadcast_in_dim3A = arith.constant 0.000000e+00 : f32
        %broadcast_in_dim3A_218 = vector.broadcast %broadcast_in_dim3A : f32 to vector<16xf32>
        %scan3A_219 = arith.constant 0 : i32
        %scan3A_220 = arith.constant 16 : i32
        %scan3A_221 = arith.addi %scan3A_219, %scan3A_220 : i32
        %scan3A_222 = arith.constant 1 : i32
        %scan3A_223 = scf.for %scan3A_229 = %scan3A_219 to %scan3A_221 step %scan3A_222 iter_args(%scan3A_230 = %broadcast_in_dim3A_218) -> (vector<16xf32>)  : i32 {
          %add3A_231 = arith.addi %mul3A_217, %scan3A_229 : i32
          %get3A = arith.index_cast %add3A_231 : i32 to index
          %get3A_232 = arith.constant 0 : index
          %get3A_233 = tpu.vector_load %arg18[%get3A, %get3A_232] {strides = array<i32>} : memref<80x128xf32, #tpu.memory_space<vmem>>, vector<16xf32>,
          %get3A_234 = arith.index_cast %add3A_231 : i32 to index
          %get3A_235 = arith.constant 0 : index
          %get3A_236 = tpu.vector_load %arg19[%get3A_234, %get3A_235] {strides = array<i32>} : memref<80x128xf32, #tpu.memory_space<vmem>>, vector<16xf32>,
          %mul3A_237 = arith.mulf %get3A_233, %get3A_236 : vector<16xf32>
          %get3A_238 = arith.index_cast %add3A_231 : i32 to index
          %get3A_239 = arith.constant 16 : index
          %get3A_240 = tpu.vector_load %arg18[%get3A_238, %get3A_239] {strides = array<i32>} : memref<80x128xf32, #tpu.memory_space<vmem>>, vector<16xf32>,
          %get3A_241 = arith.index_cast %add3A_231 : i32 to index
          %get3A_242 = arith.constant 16 : index
          %get3A_243 = tpu.vector_load %arg19[%get3A_241, %get3A_242] {strides = array<i32>} : memref<80x128xf32, #tpu.memory_space<vmem>>, vector<16xf32>,
          %mul3A_244 = arith.mulf %get3A_240, %get3A_243 : vector<16xf32>
          %add3A_245 = arith.addf %mul3A_237, %mul3A_244 : vector<16xf32>
          %get3A_246 = arith.index_cast %add3A_231 : i32 to index
          %get3A_247 = arith.constant 32 : index
          %get3A_248 = tpu.vector_load %arg18[%get3A_246, %get3A_247] {strides = array<i32>} : memref<80x128xf32, #tpu.memory_space<vmem>>, vector<16xf32>,
          %get3A_249 = arith.index_cast %add3A_231 : i32 to index
          %get3A_250 = arith.constant 32 : index
          %get3A_251 = tpu.vector_load %arg19[%get3A_249, %get3A_250] {strides = array<i32>} : memref<80x128xf32, #tpu.memory_space<vmem>>, vector<16xf32>,
          %mul3A_252 = arith.mulf %get3A_248, %get3A_251 : vector<16xf32>
          %add3A_253 = arith.addf %add3A_245, %mul3A_252 : vector<16xf32>
          %get3A_254 = arith.index_cast %add3A_231 : i32 to index
          %get3A_255 = arith.constant 48 : index
          %get3A_256 = tpu.vector_load %arg18[%get3A_254, %get3A_255] {strides = array<i32>} : memref<80x128xf32, #tpu.memory_space<vmem>>, vector<16xf32>,
          %get3A_257 = arith.index_cast %add3A_231 : i32 to index
          %get3A_258 = arith.constant 48 : index
          %get3A_259 = tpu.vector_load %arg19[%get3A_257, %get3A_258] {strides = array<i32>} : memref<80x128xf32, #tpu.memory_space<vmem>>, vector<16xf32>,
          %mul3A_260 = arith.mulf %get3A_256, %get3A_259 : vector<16xf32>
          %add3A_261 = arith.addf %add3A_253, %mul3A_260 : vector<16xf32>
          %get3A_262 = arith.index_cast %add3A_231 : i32 to index
          %get3A_263 = arith.constant 64 : index
          %get3A_264 = tpu.vector_load %arg18[%get3A_262, %get3A_263] {strides = array<i32>} : memref<80x128xf32, #tpu.memory_space<vmem>>, vector<16xf32>,
          %get3A_265 = arith.index_cast %add3A_231 : i32 to index
          %get3A_266 = arith.constant 64 : index
          %get3A_267 = tpu.vector_load %arg19[%get3A_265, %get3A_266] {strides = array<i32>} : memref<80x128xf32, #tpu.memory_space<vmem>>, vector<16xf32>,
          %mul3A_268 = arith.mulf %get3A_264, %get3A_267 : vector<16xf32>
          %add3A_269 = arith.addf %add3A_261, %mul3A_268 : vector<16xf32>
          %get3A_270 = arith.index_cast %add3A_231 : i32 to index
          %get3A_271 = arith.constant 80 : index
          %get3A_272 = tpu.vector_load %arg18[%get3A_270, %get3A_271] {strides = array<i32>} : memref<80x128xf32, #tpu.memory_space<vmem>>, vector<16xf32>,
          %get3A_273 = arith.index_cast %add3A_231 : i32 to index
          %get3A_274 = arith.constant 80 : index
          %get3A_275 = tpu.vector_load %arg19[%get3A_273, %get3A_274] {strides = array<i32>} : memref<80x128xf32, #tpu.memory_space<vmem>>, vector<16xf32>,
          %mul3A_276 = arith.mulf %get3A_272, %get3A_275 : vector<16xf32>
          %add3A_277 = arith.addf %add3A_269, %mul3A_276 : vector<16xf32>
          %get3A_278 = arith.index_cast %add3A_231 : i32 to index
          %get3A_279 = arith.constant 96 : index
          %get3A_280 = tpu.vector_load %arg18[%get3A_278, %get3A_279] {strides = array<i32>} : memref<80x128xf32, #tpu.memory_space<vmem>>, vector<16xf32>,
          %get3A_281 = arith.index_cast %add3A_231 : i32 to index
          %get3A_282 = arith.constant 96 : index
          %get3A_283 = tpu.vector_load %arg19[%get3A_281, %get3A_282] {strides = array<i32>} : memref<80x128xf32, #tpu.memory_space<vmem>>, vector<16xf32>,
          %mul3A_284 = arith.mulf %get3A_280, %get3A_283 : vector<16xf32>
          %add3A_285 = arith.addf %add3A_277, %mul3A_284 : vector<16xf32>
          %get3A_286 = arith.index_cast %add3A_231 : i32 to index
          %get3A_287 = arith.constant 112 : index
          %get3A_288 = tpu.vector_load %arg18[%get3A_286, %get3A_287] {strides = array<i32>} : memref<80x128xf32, #tpu.memory_space<vmem>>, vector<16xf32>,
          %get3A_289 = arith.index_cast %add3A_231 : i32 to index
          %get3A_290 = arith.constant 112 : index
          %get3A_291 = tpu.vector_load %arg19[%get3A_289, %get3A_290] {strides = array<i32>} : memref<80x128xf32, #tpu.memory_space<vmem>>, vector<16xf32>,
          %mul3A_292 = arith.mulf %get3A_288, %get3A_291 : vector<16xf32>
          %add3A_293 = arith.addf %add3A_285, %mul3A_292 : vector<16xf32>
          %eq3A_294 = vector.broadcast %scan3A_229 : i32 to vector<16xi32>
          %eq3A_295 = arith.cmpi eq, %iota3A, %eq3A_294 : vector<16xi32>
          %reduce_sum3A = arith.constant true
          %reduce_sum3A_296 = vector.broadcast %reduce_sum3A : i1 to vector<16xi1>
          %reduce_sum3A_297 = tpu.scan <sum>, %add3A_293 masked %reduce_sum3A_296 : vector<16xf32>, vector<16xi1> -> vector<16xf32>
          %reduce_sum3A_298 = vector.extract %reduce_sum3A_297[15] : f32 from vector<16xf32>
          %broadcast_in_dim3A_299 = vector.broadcast %reduce_sum3A_298 : f32 to vector<16xf32>
          %select_n3A = arith.select %eq3A_295, %broadcast_in_dim3A_299, %scan3A_230 : vector<16xi1>, vector<16xf32>
          scf.yield %select_n3A : vector<16xf32>
        }
        %scan3A_224 = arith.constant 16 : i32
        %jit3A = arith.constant -6.000000e+01 : f32
        %jit3A_225 = arith.constant 6.000000e+01 : f32
        %max3A = vector.broadcast %jit3A : f32 to vector<16xf32>
        %max3A_226 = arith.maximumf %max3A, %scan3A_223 : vector<16xf32>
        %min3A = vector.broadcast %jit3A_225 : f32 to vector<16xf32>
        %min3A_227 = arith.minimumf %min3A, %max3A_226 : vector<16xf32>
        %exp3A = math.exp %min3A_227 : vector<16xf32>
        %swap3A = arith.index_cast %mul3A_217 : i32 to index
        %swap3A_228 = tpu.vector_load %arg23[%swap3A] {strides = array<i32>} : memref<80xf32, #tpu.memory_space<vmem>>, vector<16xf32>,
        tpu.vector_store %arg23[%swap3A], %exp3A {strides = array<i32>} : memref<80xf32, #tpu.memory_space<vmem>>, vector<16xf32>,
      }
      %scan3A_167 = arith.constant 5 : i32
      %dma_wait3A_168 = arith.constant 0 : i32
      %dma_wait3A_169 = tpu.memref_slice %arg5[%dma_wait3A_168] : memref<320000xi32, #tpu.memory_space<hbm>> -> memref<80xi32, #tpu.memory_space<hbm>>
      %dma_wait3A_170 = arith.constant 0 : i32
      %dma_wait3A_171 = tpu.memref_slice %arg5[%dma_wait3A_170] : memref<320000xi32, #tpu.memory_space<hbm>> -> memref<80xi32, #tpu.memory_space<hbm>>
      tpu.wait_dma2 semaphore(%arg26 : memref<!tpu.dma_semaphore, #tpu.memory_space<semaphore_mem>>) src(%dma_wait3A_171 : memref<80xi32, #tpu.memory_space<hbm>>) dst(%arg12 : memref<80xi32, #tpu.memory_space<vmem>>)
      %dma_wait3A_172 = arith.constant 0 : i32
      %dma_wait3A_173 = tpu.memref_slice %arg6[%dma_wait3A_172] : memref<320000xi32, #tpu.memory_space<hbm>> -> memref<80xi32, #tpu.memory_space<hbm>>
      %dma_wait3A_174 = arith.constant 0 : i32
      %dma_wait3A_175 = tpu.memref_slice %arg6[%dma_wait3A_174] : memref<320000xi32, #tpu.memory_space<hbm>> -> memref<80xi32, #tpu.memory_space<hbm>>
      tpu.wait_dma2 semaphore(%arg28 : memref<!tpu.dma_semaphore, #tpu.memory_space<semaphore_mem>>) src(%dma_wait3A_175 : memref<80xi32, #tpu.memory_space<hbm>>) dst(%arg14 : memref<80xi32, #tpu.memory_space<vmem>>)
      %dma_start3A_176 = arith.constant 0 : i32
      %dma_start3A_177 = arith.constant 0 : i32
      %dma_start3A_178 = tpu.memref_slice %arg2[%dma_start3A_176, %dma_start3A_177] : memref<10000x128xf32, #tpu.memory_space<hbm>> -> memref<10000x128xf32, #tpu.memory_space<hbm>>
      tpu.enqueue_indirect_dma source(%dma_start3A_178 : memref<10000x128xf32, #tpu.memory_space<hbm>>) target(%arg18 : memref<80x128xf32, #tpu.memory_space<vmem>>) offsets(%arg14 : memref<80xi32, #tpu.memory_space<vmem>>) semaphore(%arg30 : memref<!tpu.dma_semaphore, #tpu.memory_space<semaphore_mem>>)
      %dma_start3A_179 = arith.constant 0 : i32
      %dma_start3A_180 = arith.constant 0 : i32
      %dma_start3A_181 = tpu.memref_slice %arg3[%dma_start3A_179, %dma_start3A_180] : memref<10000x128xf32, #tpu.memory_space<hbm>> -> memref<10000x128xf32, #tpu.memory_space<hbm>>
      tpu.enqueue_indirect_dma source(%dma_start3A_181 : memref<10000x128xf32, #tpu.memory_space<hbm>>) target(%arg19 : memref<80x128xf32, #tpu.memory_space<vmem>>) offsets(%arg12 : memref<80xi32, #tpu.memory_space<vmem>>) semaphore(%arg31 : memref<!tpu.dma_semaphore, #tpu.memory_space<semaphore_mem>>)
      %ge3A_182 = arith.constant 1 : i32
      %ge3A_183 = arith.cmpi sge, %add3A_151, %ge3A_182 : i32
      %convert_element_type3A_184 = arith.extui %ge3A_183 : i1 to i32
      %cond3A_185 = arith.constant 0 : i32
      %cond3A_186 = arith.cmpi ne, %convert_element_type3A_184, %cond3A_185 : i32
      scf.if %cond3A_186 {
        %dma_wait3A_215 = arith.constant 0 : i32
        %dma_wait3A_216 = arith.constant 0 : i32
        %dma_wait3A_217 = tpu.memref_slice %arg24[%dma_wait3A_215, %dma_wait3A_216] : memref<10000x128xf32, #tpu.memory_space<vmem_shared>> -> memref<10000x128xf32, #tpu.memory_space<vmem_shared>>
        tpu.wait_indirect_dma semaphore(%arg34 : memref<!tpu.dma_semaphore, #tpu.memory_space<semaphore_mem>>) src(%arg20 : memref<80x128xf32, #tpu.memory_space<vmem>>) dst(%dma_wait3A_217 : memref<10000x128xf32, #tpu.memory_space<vmem_shared>>)
      } else {
      }
      %dma_start3A_187 = arith.constant 0 : i32
      %dma_start3A_188 = arith.constant 0 : i32
      %dma_start3A_189 = tpu.memref_slice %arg4[%dma_start3A_187, %dma_start3A_188] : memref<10000x128xf32, #tpu.memory_space<hbm>> -> memref<10000x128xf32, #tpu.memory_space<hbm>>
      tpu.enqueue_indirect_dma source(%dma_start3A_189 : memref<10000x128xf32, #tpu.memory_space<hbm>>) target(%arg20 : memref<80x128xf32, #tpu.memory_space<vmem>>) offsets(%arg12 : memref<80xi32, #tpu.memory_space<vmem>>) semaphore(%arg32 : memref<!tpu.dma_semaphore, #tpu.memory_space<semaphore_mem>>)
      %scan3A_190 = arith.constant 0 : i32
      %scan3A_191 = arith.constant 5 : i32
      %scan3A_192 = arith.addi %scan3A_190, %scan3A_191 : i32
      %scan3A_193 = arith.constant 1 : i32
      scf.for %scan3A_215 = %scan3A_190 to %scan3A_192 step %scan3A_193  : i32 {
        %mul3A_216 = arith.constant 16 : i32
        %mul3A_217 = arith.muli %scan3A_215, %mul3A_216 : i32
        %get3A = arith.index_cast %mul3A_217 : i32 to index
        %get3A_218 = tpu.vector_load %arg15[%get3A] {strides = array<i32>} : memref<80xi32, #tpu.memory_space<vmem>>, vector<16xi32>,
        %swap3A = arith.index_cast %mul3A_217 : i32 to index
        %swap3A_219 = tpu.vector_load %arg17[%swap3A] {strides = array<i32>} : memref<80xi32, #tpu.memory_space<vmem>>, vector<16xi32>,
        tpu.vector_store %arg17[%swap3A], %get3A_218 {strides = array<i32>} : memref<80xi32, #tpu.memory_space<vmem>>, vector<16xi32>,
      }
      %scan3A_194 = arith.constant 5 : i32
      %dma_wait3A_195 = arith.constant 0 : i32
      %dma_wait3A_196 = arith.constant 0 : i32
      %dma_wait3A_197 = tpu.memref_slice %arg4[%dma_wait3A_195, %dma_wait3A_196] : memref<10000x128xf32, #tpu.memory_space<hbm>> -> memref<10000x128xf32, #tpu.memory_space<hbm>>
      tpu.wait_indirect_dma semaphore(%arg33 : memref<!tpu.dma_semaphore, #tpu.memory_space<semaphore_mem>>) src(%dma_wait3A_197 : memref<10000x128xf32, #tpu.memory_space<hbm>>) dst(%arg21 : memref<80x128xf32, #tpu.memory_space<vmem>>)
      %add3A_198 = arith.constant 2 : i32
      %add3A_199 = arith.addi %add3A_151, %add3A_198 : i32
      %lt3A_200 = arith.constant 125 : i32
      %lt3A_201 = arith.cmpi slt, %add3A_199, %lt3A_200 : i32
      %convert_element_type3A_202 = arith.extui %lt3A_201 : i1 to i32
      %cond3A_203 = arith.constant 0 : i32
      %cond3A_204 = arith.cmpi ne, %convert_element_type3A_202, %cond3A_203 : i32
      scf.if %cond3A_204 {
        %add3A_215 = arith.constant 2 : i32
        %add3A_216 = arith.addi %add3A_151, %add3A_215 : i32
        %mul3A_217 = arith.constant 80 : i32
        %mul3A_218 = arith.muli %add3A_216, %mul3A_217 : i32
        %add3A_219 = arith.addi %mul3A_2, %mul3A_218 : i32
        %dma_start3A_220 = tpu.memref_slice %arg5[%add3A_219] : memref<320000xi32, #tpu.memory_space<hbm>> -> memref<80xi32, #tpu.memory_space<hbm>>
        %dma_start3A_221 = tpu.memref_slice %arg5[%add3A_219] : memref<320000xi32, #tpu.memory_space<hbm>> -> memref<80xi32, #tpu.memory_space<hbm>>
        tpu.enqueue_dma source(%dma_start3A_221 : memref<80xi32, #tpu.memory_space<hbm>>) target(%arg13 : memref<80xi32, #tpu.memory_space<vmem>>) target_semaphore(%arg27 : memref<!tpu.dma_semaphore, #tpu.memory_space<semaphore_mem>>)
        %dma_start3A_222 = tpu.memref_slice %arg6[%add3A_219] : memref<320000xi32, #tpu.memory_space<hbm>> -> memref<80xi32, #tpu.memory_space<hbm>>
        %dma_start3A_223 = tpu.memref_slice %arg6[%add3A_219] : memref<320000xi32, #tpu.memory_space<hbm>> -> memref<80xi32, #tpu.memory_space<hbm>>
        tpu.enqueue_dma source(%dma_start3A_223 : memref<80xi32, #tpu.memory_space<hbm>>) target(%arg15 : memref<80xi32, #tpu.memory_space<vmem>>) target_semaphore(%arg29 : memref<!tpu.dma_semaphore, #tpu.memory_space<semaphore_mem>>)
      } else {
      }
      %scan3A_205 = arith.constant 0 : i32
      %scan3A_206 = arith.constant 80 : i32
      %scan3A_207 = arith.addi %scan3A_205, %scan3A_206 : i32
      %scan3A_208 = arith.constant 1 : i32
      scf.for %scan3A_215 = %scan3A_205 to %scan3A_207 step %scan3A_208  : i32 {
        %broadcast_in_dim3A = vector.broadcast %scan3A_215 : i32 to vector<16xi32>
        %gather3A = tpu.vector_load_idx %arg23[%broadcast_in_dim3A] : memref<80xf32, #tpu.memory_space<vmem>>[vector<16xi32>], vector<16xf32>,
        %get3A = arith.index_cast %scan3A_215 : i32 to index
        %get3A_216 = arith.constant 0 : index
        %get3A_217 = tpu.vector_load %arg21[%get3A, %get3A_216] {strides = array<i32>} : memref<80x128xf32, #tpu.memory_space<vmem>>, vector<16xf32>,
        %mul3A_218 = arith.mulf %get3A_217, %gather3A : vector<16xf32>
        %swap3A = arith.index_cast %scan3A_215 : i32 to index
        %swap3A_219 = arith.constant 0 : index
        %swap3A_220 = tpu.vector_load %arg21[%swap3A, %swap3A_219] {strides = array<i32>} : memref<80x128xf32, #tpu.memory_space<vmem>>, vector<16xf32>,
        tpu.vector_store %arg21[%swap3A, %swap3A_219], %mul3A_218 {strides = array<i32>} : memref<80x128xf32, #tpu.memory_space<vmem>>, vector<16xf32>,
        %get3A_221 = arith.index_cast %scan3A_215 : i32 to index
        %get3A_222 = arith.constant 16 : index
        %get3A_223 = tpu.vector_load %arg21[%get3A_221, %get3A_222] {strides = array<i32>} : memref<80x128xf32, #tpu.memory_space<vmem>>, vector<16xf32>,
        %mul3A_224 = arith.mulf %get3A_223, %gather3A : vector<16xf32>
        %swap3A_225 = arith.index_cast %scan3A_215 : i32 to index
        %swap3A_226 = arith.constant 16 : index
        %swap3A_227 = tpu.vector_load %arg21[%swap3A_225, %swap3A_226] {strides = array<i32>} : memref<80x128xf32, #tpu.memory_space<vmem>>, vector<16xf32>,
        tpu.vector_store %arg21[%swap3A_225, %swap3A_226], %mul3A_224 {strides = array<i32>} : memref<80x128xf32, #tpu.memory_space<vmem>>, vector<16xf32>,
        %get3A_228 = arith.index_cast %scan3A_215 : i32 to index
        %get3A_229 = arith.constant 32 : index
        %get3A_230 = tpu.vector_load %arg21[%get3A_228, %get3A_229] {strides = array<i32>} : memref<80x128xf32, #tpu.memory_space<vmem>>, vector<16xf32>,
        %mul3A_231 = arith.mulf %get3A_230, %gather3A : vector<16xf32>
        %swap3A_232 = arith.index_cast %scan3A_215 : i32 to index
        %swap3A_233 = arith.constant 32 : index
        %swap3A_234 = tpu.vector_load %arg21[%swap3A_232, %swap3A_233] {strides = array<i32>} : memref<80x128xf32, #tpu.memory_space<vmem>>, vector<16xf32>,
        tpu.vector_store %arg21[%swap3A_232, %swap3A_233], %mul3A_231 {strides = array<i32>} : memref<80x128xf32, #tpu.memory_space<vmem>>, vector<16xf32>,
        %get3A_235 = arith.index_cast %scan3A_215 : i32 to index
        %get3A_236 = arith.constant 48 : index
        %get3A_237 = tpu.vector_load %arg21[%get3A_235, %get3A_236] {strides = array<i32>} : memref<80x128xf32, #tpu.memory_space<vmem>>, vector<16xf32>,
        %mul3A_238 = arith.mulf %get3A_237, %gather3A : vector<16xf32>
        %swap3A_239 = arith.index_cast %scan3A_215 : i32 to index
        %swap3A_240 = arith.constant 48 : index
        %swap3A_241 = tpu.vector_load %arg21[%swap3A_239, %swap3A_240] {strides = array<i32>} : memref<80x128xf32, #tpu.memory_space<vmem>>, vector<16xf32>,
        tpu.vector_store %arg21[%swap3A_239, %swap3A_240], %mul3A_238 {strides = array<i32>} : memref<80x128xf32, #tpu.memory_space<vmem>>, vector<16xf32>,
        %get3A_242 = arith.index_cast %scan3A_215 : i32 to index
        %get3A_243 = arith.constant 64 : index
        %get3A_244 = tpu.vector_load %arg21[%get3A_242, %get3A_243] {strides = array<i32>} : memref<80x128xf32, #tpu.memory_space<vmem>>, vector<16xf32>,
        %mul3A_245 = arith.mulf %get3A_244, %gather3A : vector<16xf32>
        %swap3A_246 = arith.index_cast %scan3A_215 : i32 to index
        %swap3A_247 = arith.constant 64 : index
        %swap3A_248 = tpu.vector_load %arg21[%swap3A_246, %swap3A_247] {strides = array<i32>} : memref<80x128xf32, #tpu.memory_space<vmem>>, vector<16xf32>,
        tpu.vector_store %arg21[%swap3A_246, %swap3A_247], %mul3A_245 {strides = array<i32>} : memref<80x128xf32, #tpu.memory_space<vmem>>, vector<16xf32>,
        %get3A_249 = arith.index_cast %scan3A_215 : i32 to index
        %get3A_250 = arith.constant 80 : index
        %get3A_251 = tpu.vector_load %arg21[%get3A_249, %get3A_250] {strides = array<i32>} : memref<80x128xf32, #tpu.memory_space<vmem>>, vector<16xf32>,
        %mul3A_252 = arith.mulf %get3A_251, %gather3A : vector<16xf32>
        %swap3A_253 = arith.index_cast %scan3A_215 : i32 to index
        %swap3A_254 = arith.constant 80 : index
        %swap3A_255 = tpu.vector_load %arg21[%swap3A_253, %swap3A_254] {strides = array<i32>} : memref<80x128xf32, #tpu.memory_space<vmem>>, vector<16xf32>,
        tpu.vector_store %arg21[%swap3A_253, %swap3A_254], %mul3A_252 {strides = array<i32>} : memref<80x128xf32, #tpu.memory_space<vmem>>, vector<16xf32>,
        %get3A_256 = arith.index_cast %scan3A_215 : i32 to index
        %get3A_257 = arith.constant 96 : index
        %get3A_258 = tpu.vector_load %arg21[%get3A_256, %get3A_257] {strides = array<i32>} : memref<80x128xf32, #tpu.memory_space<vmem>>, vector<16xf32>,
        %mul3A_259 = arith.mulf %get3A_258, %gather3A : vector<16xf32>
        %swap3A_260 = arith.index_cast %scan3A_215 : i32 to index
        %swap3A_261 = arith.constant 96 : index
        %swap3A_262 = tpu.vector_load %arg21[%swap3A_260, %swap3A_261] {strides = array<i32>} : memref<80x128xf32, #tpu.memory_space<vmem>>, vector<16xf32>,
        tpu.vector_store %arg21[%swap3A_260, %swap3A_261], %mul3A_259 {strides = array<i32>} : memref<80x128xf32, #tpu.memory_space<vmem>>, vector<16xf32>,
        %get3A_263 = arith.index_cast %scan3A_215 : i32 to index
        %get3A_264 = arith.constant 112 : index
        %get3A_265 = tpu.vector_load %arg21[%get3A_263, %get3A_264] {strides = array<i32>} : memref<80x128xf32, #tpu.memory_space<vmem>>, vector<16xf32>,
        %mul3A_266 = arith.mulf %get3A_265, %gather3A : vector<16xf32>
        %swap3A_267 = arith.index_cast %scan3A_215 : i32 to index
        %swap3A_268 = arith.constant 112 : index
        %swap3A_269 = tpu.vector_load %arg21[%swap3A_267, %swap3A_268] {strides = array<i32>} : memref<80x128xf32, #tpu.memory_space<vmem>>, vector<16xf32>,
        tpu.vector_store %arg21[%swap3A_267, %swap3A_268], %mul3A_266 {strides = array<i32>} : memref<80x128xf32, #tpu.memory_space<vmem>>, vector<16xf32>,
      }
      %scan3A_209 = arith.constant 80 : i32
      %dma_start3A_210 = arith.constant 0 : i32
      %dma_start3A_211 = arith.constant 0 : i32
      %dma_start3A_212 = tpu.memref_slice %arg24[%dma_start3A_210, %dma_start3A_211] : memref<10000x128xf32, #tpu.memory_space<vmem_shared>> -> memref<10000x128xf32, #tpu.memory_space<vmem_shared>>
      tpu.enqueue_indirect_dma source(%arg21 : memref<80x128xf32, #tpu.memory_space<vmem>>) target(%dma_start3A_212 : memref<10000x128xf32, #tpu.memory_space<vmem_shared>>) offsets(%arg17 : memref<80xi32, #tpu.memory_space<vmem>>) semaphore(%arg35 : memref<!tpu.dma_semaphore, #tpu.memory_space<semaphore_mem>>) {add = true}
      %dma_start3A_213 = arith.constant 0 : i32
      %dma_start3A_214 = tpu.memref_slice %arg25[%dma_start3A_213] : memref<10000xf32, #tpu.memory_space<vmem_shared>> -> memref<10000xf32, #tpu.memory_space<vmem_shared>>
      tpu.enqueue_indirect_dma source(%arg23 : memref<80xf32, #tpu.memory_space<vmem>>) target(%dma_start3A_214 : memref<10000xf32, #tpu.memory_space<vmem_shared>>) offsets(%arg17 : memref<80xi32, #tpu.memory_space<vmem>>) semaphore(%arg37 : memref<!tpu.dma_semaphore, #tpu.memory_space<semaphore_mem>>) {add = true}
    }
    %scan3A_22 = arith.constant 62 : i32
    %dma_wait3A = arith.constant 0 : i32
    %dma_wait3A_23 = arith.constant 0 : i32
    %dma_wait3A_24 = tpu.memref_slice %arg2[%dma_wait3A, %dma_wait3A_23] : memref<10000x128xf32, #tpu.memory_space<hbm>> -> memref<10000x128xf32, #tpu.memory_space<hbm>>
    tpu.wait_indirect_dma semaphore(%arg30 : memref<!tpu.dma_semaphore, #tpu.memory_space<semaphore_mem>>) src(%dma_wait3A_24 : memref<10000x128xf32, #tpu.memory_space<hbm>>) dst(%arg18 : memref<80x128xf32, #tpu.memory_space<vmem>>)
    %dma_wait3A_25 = arith.constant 0 : i32
    %dma_wait3A_26 = arith.constant 0 : i32
    %dma_wait3A_27 = tpu.memref_slice %arg3[%dma_wait3A_25, %dma_wait3A_26] : memref<10000x128xf32, #tpu.memory_space<hbm>> -> memref<10000x128xf32, #tpu.memory_space<hbm>>
    tpu.wait_indirect_dma semaphore(%arg31 : memref<!tpu.dma_semaphore, #tpu.memory_space<semaphore_mem>>) src(%dma_wait3A_27 : memref<10000x128xf32, #tpu.memory_space<hbm>>) dst(%arg19 : memref<80x128xf32, #tpu.memory_space<vmem>>)
    %dma_wait3A_28 = arith.constant 0 : i32
    %dma_wait3A_29 = tpu.memref_slice %arg25[%dma_wait3A_28] : memref<10000xf32, #tpu.memory_space<vmem_shared>> -> memref<10000xf32, #tpu.memory_space<vmem_shared>>
    tpu.wait_indirect_dma semaphore(%arg36 : memref<!tpu.dma_semaphore, #tpu.memory_space<semaphore_mem>>) src(%arg22 : memref<80xf32, #tpu.memory_space<vmem>>) dst(%dma_wait3A_29 : memref<10000xf32, #tpu.memory_space<vmem_shared>>)
    %scan3A_30 = arith.constant 0 : i32
    %scan3A_31 = arith.constant 5 : i32
    %scan3A_32 = arith.addi %scan3A_30, %scan3A_31 : i32
    %scan3A_33 = arith.constant 1 : i32
    scf.for %scan3A_84 = %scan3A_30 to %scan3A_32 step %scan3A_33  : i32 {
      %mul3A_85 = arith.constant 16 : i32
      %mul3A_86 = arith.muli %scan3A_84, %mul3A_85 : i32
      %broadcast_in_dim3A = arith.constant 0.000000e+00 : f32
      %broadcast_in_dim3A_87 = vector.broadcast %broadcast_in_dim3A : f32 to vector<16xf32>
      %scan3A_88 = arith.constant 0 : i32
      %scan3A_89 = arith.constant 16 : i32
      %scan3A_90 = arith.addi %scan3A_88, %scan3A_89 : i32
      %scan3A_91 = arith.constant 1 : i32
      %scan3A_92 = scf.for %scan3A_98 = %scan3A_88 to %scan3A_90 step %scan3A_91 iter_args(%scan3A_99 = %broadcast_in_dim3A_87) -> (vector<16xf32>)  : i32 {
        %add3A_100 = arith.addi %mul3A_86, %scan3A_98 : i32
        %get3A = arith.index_cast %add3A_100 : i32 to index
        %get3A_101 = arith.constant 0 : index
        %get3A_102 = tpu.vector_load %arg18[%get3A, %get3A_101] {strides = array<i32>} : memref<80x128xf32, #tpu.memory_space<vmem>>, vector<16xf32>,
        %get3A_103 = arith.index_cast %add3A_100 : i32 to index
        %get3A_104 = arith.constant 0 : index
        %get3A_105 = tpu.vector_load %arg19[%get3A_103, %get3A_104] {strides = array<i32>} : memref<80x128xf32, #tpu.memory_space<vmem>>, vector<16xf32>,
        %mul3A_106 = arith.mulf %get3A_102, %get3A_105 : vector<16xf32>
        %get3A_107 = arith.index_cast %add3A_100 : i32 to index
        %get3A_108 = arith.constant 16 : index
        %get3A_109 = tpu.vector_load %arg18[%get3A_107, %get3A_108] {strides = array<i32>} : memref<80x128xf32, #tpu.memory_space<vmem>>, vector<16xf32>,
        %get3A_110 = arith.index_cast %add3A_100 : i32 to index
        %get3A_111 = arith.constant 16 : index
        %get3A_112 = tpu.vector_load %arg19[%get3A_110, %get3A_111] {strides = array<i32>} : memref<80x128xf32, #tpu.memory_space<vmem>>, vector<16xf32>,
        %mul3A_113 = arith.mulf %get3A_109, %get3A_112 : vector<16xf32>
        %add3A_114 = arith.addf %mul3A_106, %mul3A_113 : vector<16xf32>
        %get3A_115 = arith.index_cast %add3A_100 : i32 to index
        %get3A_116 = arith.constant 32 : index
        %get3A_117 = tpu.vector_load %arg18[%get3A_115, %get3A_116] {strides = array<i32>} : memref<80x128xf32, #tpu.memory_space<vmem>>, vector<16xf32>,
        %get3A_118 = arith.index_cast %add3A_100 : i32 to index
        %get3A_119 = arith.constant 32 : index
        %get3A_120 = tpu.vector_load %arg19[%get3A_118, %get3A_119] {strides = array<i32>} : memref<80x128xf32, #tpu.memory_space<vmem>>, vector<16xf32>,
        %mul3A_121 = arith.mulf %get3A_117, %get3A_120 : vector<16xf32>
        %add3A_122 = arith.addf %add3A_114, %mul3A_121 : vector<16xf32>
        %get3A_123 = arith.index_cast %add3A_100 : i32 to index
        %get3A_124 = arith.constant 48 : index
        %get3A_125 = tpu.vector_load %arg18[%get3A_123, %get3A_124] {strides = array<i32>} : memref<80x128xf32, #tpu.memory_space<vmem>>, vector<16xf32>,
        %get3A_126 = arith.index_cast %add3A_100 : i32 to index
        %get3A_127 = arith.constant 48 : index
        %get3A_128 = tpu.vector_load %arg19[%get3A_126, %get3A_127] {strides = array<i32>} : memref<80x128xf32, #tpu.memory_space<vmem>>, vector<16xf32>,
        %mul3A_129 = arith.mulf %get3A_125, %get3A_128 : vector<16xf32>
        %add3A_130 = arith.addf %add3A_122, %mul3A_129 : vector<16xf32>
        %get3A_131 = arith.index_cast %add3A_100 : i32 to index
        %get3A_132 = arith.constant 64 : index
        %get3A_133 = tpu.vector_load %arg18[%get3A_131, %get3A_132] {strides = array<i32>} : memref<80x128xf32, #tpu.memory_space<vmem>>, vector<16xf32>,
        %get3A_134 = arith.index_cast %add3A_100 : i32 to index
        %get3A_135 = arith.constant 64 : index
        %get3A_136 = tpu.vector_load %arg19[%get3A_134, %get3A_135] {strides = array<i32>} : memref<80x128xf32, #tpu.memory_space<vmem>>, vector<16xf32>,
        %mul3A_137 = arith.mulf %get3A_133, %get3A_136 : vector<16xf32>
        %add3A_138 = arith.addf %add3A_130, %mul3A_137 : vector<16xf32>
        %get3A_139 = arith.index_cast %add3A_100 : i32 to index
        %get3A_140 = arith.constant 80 : index
        %get3A_141 = tpu.vector_load %arg18[%get3A_139, %get3A_140] {strides = array<i32>} : memref<80x128xf32, #tpu.memory_space<vmem>>, vector<16xf32>,
        %get3A_142 = arith.index_cast %add3A_100 : i32 to index
        %get3A_143 = arith.constant 80 : index
        %get3A_144 = tpu.vector_load %arg19[%get3A_142, %get3A_143] {strides = array<i32>} : memref<80x128xf32, #tpu.memory_space<vmem>>, vector<16xf32>,
        %mul3A_145 = arith.mulf %get3A_141, %get3A_144 : vector<16xf32>
        %add3A_146 = arith.addf %add3A_138, %mul3A_145 : vector<16xf32>
        %get3A_147 = arith.index_cast %add3A_100 : i32 to index
        %get3A_148 = arith.constant 96 : index
        %get3A_149 = tpu.vector_load %arg18[%get3A_147, %get3A_148] {strides = array<i32>} : memref<80x128xf32, #tpu.memory_space<vmem>>, vector<16xf32>,
        %get3A_150 = arith.index_cast %add3A_100 : i32 to index
        %get3A_151 = arith.constant 96 : index
        %get3A_152 = tpu.vector_load %arg19[%get3A_150, %get3A_151] {strides = array<i32>} : memref<80x128xf32, #tpu.memory_space<vmem>>, vector<16xf32>,
        %mul3A_153 = arith.mulf %get3A_149, %get3A_152 : vector<16xf32>
        %add3A_154 = arith.addf %add3A_146, %mul3A_153 : vector<16xf32>
        %get3A_155 = arith.index_cast %add3A_100 : i32 to index
        %get3A_156 = arith.constant 112 : index
        %get3A_157 = tpu.vector_load %arg18[%get3A_155, %get3A_156] {strides = array<i32>} : memref<80x128xf32, #tpu.memory_space<vmem>>, vector<16xf32>,
        %get3A_158 = arith.index_cast %add3A_100 : i32 to index
        %get3A_159 = arith.constant 112 : index
        %get3A_160 = tpu.vector_load %arg19[%get3A_158, %get3A_159] {strides = array<i32>} : memref<80x128xf32, #tpu.memory_space<vmem>>, vector<16xf32>,
        %mul3A_161 = arith.mulf %get3A_157, %get3A_160 : vector<16xf32>
        %add3A_162 = arith.addf %add3A_154, %mul3A_161 : vector<16xf32>
        %eq3A_163 = vector.broadcast %scan3A_98 : i32 to vector<16xi32>
        %eq3A_164 = arith.cmpi eq, %iota3A, %eq3A_163 : vector<16xi32>
        %reduce_sum3A = arith.constant true
        %reduce_sum3A_165 = vector.broadcast %reduce_sum3A : i1 to vector<16xi1>
        %reduce_sum3A_166 = tpu.scan <sum>, %add3A_162 masked %reduce_sum3A_165 : vector<16xf32>, vector<16xi1> -> vector<16xf32>
        %reduce_sum3A_167 = vector.extract %reduce_sum3A_166[15] : f32 from vector<16xf32>
        %broadcast_in_dim3A_168 = vector.broadcast %reduce_sum3A_167 : f32 to vector<16xf32>
        %select_n3A = arith.select %eq3A_164, %broadcast_in_dim3A_168, %scan3A_99 : vector<16xi1>, vector<16xf32>
        scf.yield %select_n3A : vector<16xf32>
      }
      %scan3A_93 = arith.constant 16 : i32
      %jit3A = arith.constant -6.000000e+01 : f32
      %jit3A_94 = arith.constant 6.000000e+01 : f32
      %max3A = vector.broadcast %jit3A : f32 to vector<16xf32>
      %max3A_95 = arith.maximumf %max3A, %scan3A_92 : vector<16xf32>
      %min3A = vector.broadcast %jit3A_94 : f32 to vector<16xf32>
      %min3A_96 = arith.minimumf %min3A, %max3A_95 : vector<16xf32>
      %exp3A = math.exp %min3A_96 : vector<16xf32>
      %swap3A = arith.index_cast %mul3A_86 : i32 to index
      %swap3A_97 = tpu.vector_load %arg22[%swap3A] {strides = array<i32>} : memref<80xf32, #tpu.memory_space<vmem>>, vector<16xf32>,
      tpu.vector_store %arg22[%swap3A], %exp3A {strides = array<i32>} : memref<80xf32, #tpu.memory_space<vmem>>, vector<16xf32>,
    }
    %scan3A_34 = arith.constant 5 : i32
    %scan3A_35 = arith.constant 0 : i32
    %scan3A_36 = arith.constant 5 : i32
    %scan3A_37 = arith.addi %scan3A_35, %scan3A_36 : i32
    %scan3A_38 = arith.constant 1 : i32
    scf.for %scan3A_84 = %scan3A_35 to %scan3A_37 step %scan3A_38  : i32 {
      %mul3A_85 = arith.constant 16 : i32
      %mul3A_86 = arith.muli %scan3A_84, %mul3A_85 : i32
      %get3A = arith.index_cast %mul3A_86 : i32 to index
      %get3A_87 = tpu.vector_load %arg14[%get3A] {strides = array<i32>} : memref<80xi32, #tpu.memory_space<vmem>>, vector<16xi32>,
      %swap3A = arith.index_cast %mul3A_86 : i32 to index
      %swap3A_88 = tpu.vector_load %arg16[%swap3A] {strides = array<i32>} : memref<80xi32, #tpu.memory_space<vmem>>, vector<16xi32>,
      tpu.vector_store %arg16[%swap3A], %get3A_87 {strides = array<i32>} : memref<80xi32, #tpu.memory_space<vmem>>, vector<16xi32>,
    }
    %scan3A_39 = arith.constant 5 : i32
    %dma_wait3A_40 = arith.constant 0 : i32
    %dma_wait3A_41 = arith.constant 0 : i32
    %dma_wait3A_42 = tpu.memref_slice %arg4[%dma_wait3A_40, %dma_wait3A_41] : memref<10000x128xf32, #tpu.memory_space<hbm>> -> memref<10000x128xf32, #tpu.memory_space<hbm>>
    tpu.wait_indirect_dma semaphore(%arg32 : memref<!tpu.dma_semaphore, #tpu.memory_space<semaphore_mem>>) src(%dma_wait3A_42 : memref<10000x128xf32, #tpu.memory_space<hbm>>) dst(%arg20 : memref<80x128xf32, #tpu.memory_space<vmem>>)
    %scan3A_43 = arith.constant 0 : i32
    %scan3A_44 = arith.constant 80 : i32
    %scan3A_45 = arith.addi %scan3A_43, %scan3A_44 : i32
    %scan3A_46 = arith.constant 1 : i32
    scf.for %scan3A_84 = %scan3A_43 to %scan3A_45 step %scan3A_46  : i32 {
      %broadcast_in_dim3A = vector.broadcast %scan3A_84 : i32 to vector<16xi32>
      %gather3A = tpu.vector_load_idx %arg22[%broadcast_in_dim3A] : memref<80xf32, #tpu.memory_space<vmem>>[vector<16xi32>], vector<16xf32>,
      %get3A = arith.index_cast %scan3A_84 : i32 to index
      %get3A_85 = arith.constant 0 : index
      %get3A_86 = tpu.vector_load %arg20[%get3A, %get3A_85] {strides = array<i32>} : memref<80x128xf32, #tpu.memory_space<vmem>>, vector<16xf32>,
      %mul3A_87 = arith.mulf %get3A_86, %gather3A : vector<16xf32>
      %swap3A = arith.index_cast %scan3A_84 : i32 to index
      %swap3A_88 = arith.constant 0 : index
      %swap3A_89 = tpu.vector_load %arg20[%swap3A, %swap3A_88] {strides = array<i32>} : memref<80x128xf32, #tpu.memory_space<vmem>>, vector<16xf32>,
      tpu.vector_store %arg20[%swap3A, %swap3A_88], %mul3A_87 {strides = array<i32>} : memref<80x128xf32, #tpu.memory_space<vmem>>, vector<16xf32>,
      %get3A_90 = arith.index_cast %scan3A_84 : i32 to index
      %get3A_91 = arith.constant 16 : index
      %get3A_92 = tpu.vector_load %arg20[%get3A_90, %get3A_91] {strides = array<i32>} : memref<80x128xf32, #tpu.memory_space<vmem>>, vector<16xf32>,
      %mul3A_93 = arith.mulf %get3A_92, %gather3A : vector<16xf32>
      %swap3A_94 = arith.index_cast %scan3A_84 : i32 to index
      %swap3A_95 = arith.constant 16 : index
      %swap3A_96 = tpu.vector_load %arg20[%swap3A_94, %swap3A_95] {strides = array<i32>} : memref<80x128xf32, #tpu.memory_space<vmem>>, vector<16xf32>,
      tpu.vector_store %arg20[%swap3A_94, %swap3A_95], %mul3A_93 {strides = array<i32>} : memref<80x128xf32, #tpu.memory_space<vmem>>, vector<16xf32>,
      %get3A_97 = arith.index_cast %scan3A_84 : i32 to index
      %get3A_98 = arith.constant 32 : index
      %get3A_99 = tpu.vector_load %arg20[%get3A_97, %get3A_98] {strides = array<i32>} : memref<80x128xf32, #tpu.memory_space<vmem>>, vector<16xf32>,
      %mul3A_100 = arith.mulf %get3A_99, %gather3A : vector<16xf32>
      %swap3A_101 = arith.index_cast %scan3A_84 : i32 to index
      %swap3A_102 = arith.constant 32 : index
      %swap3A_103 = tpu.vector_load %arg20[%swap3A_101, %swap3A_102] {strides = array<i32>} : memref<80x128xf32, #tpu.memory_space<vmem>>, vector<16xf32>,
      tpu.vector_store %arg20[%swap3A_101, %swap3A_102], %mul3A_100 {strides = array<i32>} : memref<80x128xf32, #tpu.memory_space<vmem>>, vector<16xf32>,
      %get3A_104 = arith.index_cast %scan3A_84 : i32 to index
      %get3A_105 = arith.constant 48 : index
      %get3A_106 = tpu.vector_load %arg20[%get3A_104, %get3A_105] {strides = array<i32>} : memref<80x128xf32, #tpu.memory_space<vmem>>, vector<16xf32>,
      %mul3A_107 = arith.mulf %get3A_106, %gather3A : vector<16xf32>
      %swap3A_108 = arith.index_cast %scan3A_84 : i32 to index
      %swap3A_109 = arith.constant 48 : index
      %swap3A_110 = tpu.vector_load %arg20[%swap3A_108, %swap3A_109] {strides = array<i32>} : memref<80x128xf32, #tpu.memory_space<vmem>>, vector<16xf32>,
      tpu.vector_store %arg20[%swap3A_108, %swap3A_109], %mul3A_107 {strides = array<i32>} : memref<80x128xf32, #tpu.memory_space<vmem>>, vector<16xf32>,
      %get3A_111 = arith.index_cast %scan3A_84 : i32 to index
      %get3A_112 = arith.constant 64 : index
      %get3A_113 = tpu.vector_load %arg20[%get3A_111, %get3A_112] {strides = array<i32>} : memref<80x128xf32, #tpu.memory_space<vmem>>, vector<16xf32>,
      %mul3A_114 = arith.mulf %get3A_113, %gather3A : vector<16xf32>
      %swap3A_115 = arith.index_cast %scan3A_84 : i32 to index
      %swap3A_116 = arith.constant 64 : index
      %swap3A_117 = tpu.vector_load %arg20[%swap3A_115, %swap3A_116] {strides = array<i32>} : memref<80x128xf32, #tpu.memory_space<vmem>>, vector<16xf32>,
      tpu.vector_store %arg20[%swap3A_115, %swap3A_116], %mul3A_114 {strides = array<i32>} : memref<80x128xf32, #tpu.memory_space<vmem>>, vector<16xf32>,
      %get3A_118 = arith.index_cast %scan3A_84 : i32 to index
      %get3A_119 = arith.constant 80 : index
      %get3A_120 = tpu.vector_load %arg20[%get3A_118, %get3A_119] {strides = array<i32>} : memref<80x128xf32, #tpu.memory_space<vmem>>, vector<16xf32>,
      %mul3A_121 = arith.mulf %get3A_120, %gather3A : vector<16xf32>
      %swap3A_122 = arith.index_cast %scan3A_84 : i32 to index
      %swap3A_123 = arith.constant 80 : index
      %swap3A_124 = tpu.vector_load %arg20[%swap3A_122, %swap3A_123] {strides = array<i32>} : memref<80x128xf32, #tpu.memory_space<vmem>>, vector<16xf32>,
      tpu.vector_store %arg20[%swap3A_122, %swap3A_123], %mul3A_121 {strides = array<i32>} : memref<80x128xf32, #tpu.memory_space<vmem>>, vector<16xf32>,
      %get3A_125 = arith.index_cast %scan3A_84 : i32 to index
      %get3A_126 = arith.constant 96 : index
      %get3A_127 = tpu.vector_load %arg20[%get3A_125, %get3A_126] {strides = array<i32>} : memref<80x128xf32, #tpu.memory_space<vmem>>, vector<16xf32>,
      %mul3A_128 = arith.mulf %get3A_127, %gather3A : vector<16xf32>
      %swap3A_129 = arith.index_cast %scan3A_84 : i32 to index
      %swap3A_130 = arith.constant 96 : index
      %swap3A_131 = tpu.vector_load %arg20[%swap3A_129, %swap3A_130] {strides = array<i32>} : memref<80x128xf32, #tpu.memory_space<vmem>>, vector<16xf32>,
      tpu.vector_store %arg20[%swap3A_129, %swap3A_130], %mul3A_128 {strides = array<i32>} : memref<80x128xf32, #tpu.memory_space<vmem>>, vector<16xf32>,
      %get3A_132 = arith.index_cast %scan3A_84 : i32 to index
      %get3A_133 = arith.constant 112 : index
      %get3A_134 = tpu.vector_load %arg20[%get3A_132, %get3A_133] {strides = array<i32>} : memref<80x128xf32, #tpu.memory_space<vmem>>, vector<16xf32>,
      %mul3A_135 = arith.mulf %get3A_134, %gather3A : vector<16xf32>
      %swap3A_136 = arith.index_cast %scan3A_84 : i32 to index
      %swap3A_137 = arith.constant 112 : index
      %swap3A_138 = tpu.vector_load %arg20[%swap3A_136, %swap3A_137] {strides = array<i32>} : memref<80x128xf32, #tpu.memory_space<vmem>>, vector<16xf32>,
      tpu.vector_store %arg20[%swap3A_136, %swap3A_137], %mul3A_135 {strides = array<i32>} : memref<80x128xf32, #tpu.memory_space<vmem>>, vector<16xf32>,
    }
    %scan3A_47 = arith.constant 80 : i32
    %dma_start3A_48 = arith.constant 0 : i32
    %dma_start3A_49 = arith.constant 0 : i32
    %dma_start3A_50 = tpu.memref_slice %arg24[%dma_start3A_48, %dma_start3A_49] : memref<10000x128xf32, #tpu.memory_space<vmem_shared>> -> memref<10000x128xf32, #tpu.memory_space<vmem_shared>>
    tpu.enqueue_indirect_dma source(%arg20 : memref<80x128xf32, #tpu.memory_space<vmem>>) target(%dma_start3A_50 : memref<10000x128xf32, #tpu.memory_space<vmem_shared>>) offsets(%arg16 : memref<80xi32, #tpu.memory_space<vmem>>) semaphore(%arg34 : memref<!tpu.dma_semaphore, #tpu.memory_space<semaphore_mem>>) {add = true}
    %dma_start3A_51 = arith.constant 0 : i32
    %dma_start3A_52 = tpu.memref_slice %arg25[%dma_start3A_51] : memref<10000xf32, #tpu.memory_space<vmem_shared>> -> memref<10000xf32, #tpu.memory_space<vmem_shared>>
    tpu.enqueue_indirect_dma source(%arg22 : memref<80xf32, #tpu.memory_space<vmem>>) target(%dma_start3A_52 : memref<10000xf32, #tpu.memory_space<vmem_shared>>) offsets(%arg16 : memref<80xi32, #tpu.memory_space<vmem>>) semaphore(%arg36 : memref<!tpu.dma_semaphore, #tpu.memory_space<semaphore_mem>>) {add = true}
    %dma_wait3A_53 = arith.constant 0 : i32
    %dma_wait3A_54 = arith.constant 0 : i32
    %dma_wait3A_55 = tpu.memref_slice %arg24[%dma_wait3A_53, %dma_wait3A_54] : memref<10000x128xf32, #tpu.memory_space<vmem_shared>> -> memref<10000x128xf32, #tpu.memory_space<vmem_shared>>
    tpu.wait_indirect_dma semaphore(%arg34 : memref<!tpu.dma_semaphore, #tpu.memory_space<semaphore_mem>>) src(%arg20 : memref<80x128xf32, #tpu.memory_space<vmem>>) dst(%dma_wait3A_55 : memref<10000x128xf32, #tpu.memory_space<vmem_shared>>)
    %dma_wait3A_56 = arith.constant 0 : i32
    %dma_wait3A_57 = tpu.memref_slice %arg25[%dma_wait3A_56] : memref<10000xf32, #tpu.memory_space<vmem_shared>> -> memref<10000xf32, #tpu.memory_space<vmem_shared>>
    tpu.wait_indirect_dma semaphore(%arg36 : memref<!tpu.dma_semaphore, #tpu.memory_space<semaphore_mem>>) src(%arg22 : memref<80xf32, #tpu.memory_space<vmem>>) dst(%dma_wait3A_57 : memref<10000xf32, #tpu.memory_space<vmem_shared>>)
    %dma_wait3A_58 = arith.constant 0 : i32
    %dma_wait3A_59 = arith.constant 0 : i32
    %dma_wait3A_60 = tpu.memref_slice %arg24[%dma_wait3A_58, %dma_wait3A_59] : memref<10000x128xf32, #tpu.memory_space<vmem_shared>> -> memref<10000x128xf32, #tpu.memory_space<vmem_shared>>
    tpu.wait_indirect_dma semaphore(%arg35 : memref<!tpu.dma_semaphore, #tpu.memory_space<semaphore_mem>>) src(%arg21 : memref<80x128xf32, #tpu.memory_space<vmem>>) dst(%dma_wait3A_60 : memref<10000x128xf32, #tpu.memory_space<vmem_shared>>)
    %dma_wait3A_61 = arith.constant 0 : i32
    %dma_wait3A_62 = tpu.memref_slice %arg25[%dma_wait3A_61] : memref<10000xf32, #tpu.memory_space<vmem_shared>> -> memref<10000xf32, #tpu.memory_space<vmem_shared>>
    tpu.wait_indirect_dma semaphore(%arg37 : memref<!tpu.dma_semaphore, #tpu.memory_space<semaphore_mem>>) src(%arg23 : memref<80xf32, #tpu.memory_space<vmem>>) dst(%dma_wait3A_62 : memref<10000xf32, #tpu.memory_space<vmem_shared>>)
    %barrier3A_63 = arith.constant 0 : index
    tpu.barrier barrier_id(%barrier3A_63)
    %eq3A_64 = arith.constant 0 : i32
    %eq3A_65 = arith.cmpi eq, %arg1, %eq3A_64 : i32
    %convert_element_type3A_66 = arith.extui %eq3A_65 : i1 to i32
    %cond3A_67 = arith.constant 0 : i32
    %cond3A_68 = arith.cmpi ne, %convert_element_type3A_66, %cond3A_67 : i32
    scf.if %cond3A_68 {
      "tpu.region"() ({
        %run_scoped3A = tpu.sem_alloc : memref<!tpu.dma_semaphore, #tpu.memory_space<semaphore_mem>>
        %dma_start3A_84 = arith.constant 0 : i32
        %dma_start3A_85 = arith.constant 0 : i32
        %dma_start3A_86 = tpu.memref_slice %arg9[%arg0, %dma_start3A_84, %dma_start3A_85] : memref<2x10000x128xf32, #tpu.memory_space<hbm>> -> memref<1x10000x128xf32, #tpu.memory_space<hbm>>
        %dma_start3A_87 = tpu.memref_squeeze %dma_start3A_86 : memref<1x10000x128xf32, #tpu.memory_space<hbm>> -> memref<10000x128xf32, #tpu.memory_space<hbm>>
        tpu.enqueue_dma source(%arg24 : memref<10000x128xf32, #tpu.memory_space<vmem_shared>>) target(%dma_start3A_87 : memref<10000x128xf32, #tpu.memory_space<hbm>>) target_semaphore(%run_scoped3A : memref<!tpu.dma_semaphore, #tpu.memory_space<semaphore_mem>>)
        %dma_wait3A_88 = arith.constant 0 : i32
        %dma_wait3A_89 = arith.constant 0 : i32
        %dma_wait3A_90 = tpu.memref_slice %arg9[%arg0, %dma_wait3A_88, %dma_wait3A_89] : memref<2x10000x128xf32, #tpu.memory_space<hbm>> -> memref<1x10000x128xf32, #tpu.memory_space<hbm>>
        %dma_wait3A_91 = tpu.memref_squeeze %dma_wait3A_90 : memref<1x10000x128xf32, #tpu.memory_space<hbm>> -> memref<10000x128xf32, #tpu.memory_space<hbm>>
        tpu.wait_dma2 semaphore(%run_scoped3A : memref<!tpu.dma_semaphore, #tpu.memory_space<semaphore_mem>>) src(%arg24 : memref<10000x128xf32, #tpu.memory_space<vmem_shared>>) dst(%dma_wait3A_91 : memref<10000x128xf32, #tpu.memory_space<hbm>>)
        tpu.yield
      }) : () -> ()
    } else {
    }
    %eq3A_69 = arith.constant 0 : i32
    %eq3A_70 = arith.cmpi eq, %arg1, %eq3A_69 : i32
    %eq3A_71 = arith.constant 0 : i32
    %eq3A_72 = arith.cmpi eq, %arg0, %eq3A_71 : i32
    %and3A = arith.andi %eq3A_70, %eq3A_72 : i1
    %convert_element_type3A_73 = arith.extui %and3A : i1 to i32
    %cond3A_74 = arith.constant 0 : i32
    %cond3A_75 = arith.cmpi ne, %convert_element_type3A_73, %cond3A_74 : i32
    scf.if %cond3A_75 {
      "tpu.region"() ({
        %run_scoped3A = tpu.sem_alloc : memref<!tpu.dma_semaphore, #tpu.memory_space<semaphore_mem>>
        tpu.enqueue_dma source(%arg25 : memref<10000xf32, #tpu.memory_space<vmem_shared>>) target(%arg10 : memref<10000xf32, #tpu.memory_space<hbm>>) target_semaphore(%run_scoped3A : memref<!tpu.dma_semaphore, #tpu.memory_space<semaphore_mem>>)
        tpu.wait_dma2 semaphore(%run_scoped3A : memref<!tpu.dma_semaphore, #tpu.memory_space<semaphore_mem>>) src(%arg25 : memref<10000xf32, #tpu.memory_space<vmem_shared>>) dst(%arg10 : memref<10000xf32, #tpu.memory_space<hbm>>)
        tpu.yield
      }) : () -> ()
    } else {
    }
    %eq3A_76 = arith.constant 0 : i32
    %eq3A_77 = arith.cmpi eq, %arg1, %eq3A_76 : i32
    %eq3A_78 = arith.constant 1 : i32
    %eq3A_79 = arith.cmpi eq, %arg0, %eq3A_78 : i32
    %and3A_80 = arith.andi %eq3A_77, %eq3A_79 : i1
    %convert_element_type3A_81 = arith.extui %and3A_80 : i1 to i32
    %cond3A_82 = arith.constant 0 : i32
    %cond3A_83 = arith.cmpi ne, %convert_element_type3A_81, %cond3A_82 : i32
    scf.if %cond3A_83 {
      "tpu.region"() ({
        %run_scoped3A = tpu.sem_alloc : memref<!tpu.dma_semaphore, #tpu.memory_space<semaphore_mem>>
        tpu.enqueue_dma source(%arg25 : memref<10000xf32, #tpu.memory_space<vmem_shared>>) target(%arg11 : memref<10000xf32, #tpu.memory_space<hbm>>) target_semaphore(%run_scoped3A : memref<!tpu.dma_semaphore, #tpu.memory_space<semaphore_mem>>)
        tpu.wait_dma2 semaphore(%run_scoped3A : memref<!tpu.dma_semaphore, #tpu.memory_space<semaphore_mem>>) src(%arg25 : memref<10000xf32, #tpu.memory_space<vmem_shared>>) dst(%arg11 : memref<10000xf32, #tpu.memory_space<hbm>>)
        tpu.yield
      }) : () -> ()
    } else {
    }
    return
  }
}

module attributes {stable_mosaic.version = 14 : i64} {
  func.func @_qkv_body(%arg0: i32, %arg1: memref<1000x128xf32, #tpu.memory_space<vmem>>, %arg2: memref<128x512xf32, #tpu.memory_space<vmem>>, %arg3: memref<1000x128xf32, #tpu.memory_space<vmem>>, %arg4: memref<1000x128xf32, #tpu.memory_space<vmem>>, %arg5: memref<1000x128xf32, #tpu.memory_space<vmem>>, %arg6: memref<1000x128xf32, #tpu.memory_space<vmem>>) attributes {dimension_semantics = [#tpu.dimension_semantics<arbitrary>], iteration_bounds = array<i64: 10>, scalar_prefetch = 0 : i64, scratch_operands = 0 : i64, tpu.core_type = #tpu.core_type<tc>, window_params = [{transform_indices = @transform_0, window_bounds = array<i64: 1000, 128>}, {pipeline_mode = #tpu.pipeline_mode<synchronous>, transform_indices = @transform_1, window_bounds = array<i64: 128, 512>}, {transform_indices = @transform_2, window_bounds = array<i64: 1000, 128>}, {transform_indices = @transform_3, window_bounds = array<i64: 1000, 128>}, {transform_indices = @transform_4, window_bounds = array<i64: 1000, 128>}, {transform_indices = @transform_5, window_bounds = array<i64: 1000, 128>}]} {
    %get3A = arith.constant 0 : index
    %get3A_0 = arith.constant 0 : index
    %get3A_1 = vector.load %arg1[%get3A, %get3A_0] : memref<1000x128xf32, #tpu.memory_space<vmem>>, vector<1000x128xf32>
    %get3A_2 = arith.constant 0 : index
    %get3A_3 = arith.constant 0 : index
    %get3A_4 = vector.load %arg2[%get3A_2, %get3A_3] : memref<128x512xf32, #tpu.memory_space<vmem>>, vector<128x512xf32>
    %dot_general3A = arith.constant dense<0.000000e+00> : vector<1000x512xf32>
    %dot_general3A_5 = tpu.matmul %get3A_1, %get3A_4, %dot_general3A {dimension_numbers = #tpu.dot_dimension_numbers<[1], [0], [0], [1], [0, 0, 1, 1], [], []>, transpose_lhs_hint = false} : vector<1000x128xf32>, vector<128x512xf32>, vector<1000x512xf32> -> vector<1000x512xf32>
    %slice3A = vector.extract_strided_slice %dot_general3A_5 {offsets = [0, 0], sizes = [1000, 128], strides = [1, 1]} : vector<1000x512xf32> to vector<1000x128xf32>
    %swap3A = arith.constant 0 : index
    %swap3A_6 = arith.constant 0 : index
    %swap3A_7 = vector.load %arg3[%swap3A, %swap3A_6] : memref<1000x128xf32, #tpu.memory_space<vmem>>, vector<1000x128xf32>
    tpu.vector_store %arg3[%swap3A, %swap3A_6], %slice3A {strides = array<i32>} : memref<1000x128xf32, #tpu.memory_space<vmem>>, vector<1000x128xf32>,
    %slice3A_8 = vector.extract_strided_slice %dot_general3A_5 {offsets = [0, 128], sizes = [1000, 128], strides = [1, 1]} : vector<1000x512xf32> to vector<1000x128xf32>
    %swap3A_9 = arith.constant 0 : index
    %swap3A_10 = arith.constant 0 : index
    %swap3A_11 = vector.load %arg4[%swap3A_9, %swap3A_10] : memref<1000x128xf32, #tpu.memory_space<vmem>>, vector<1000x128xf32>
    tpu.vector_store %arg4[%swap3A_9, %swap3A_10], %slice3A_8 {strides = array<i32>} : memref<1000x128xf32, #tpu.memory_space<vmem>>, vector<1000x128xf32>,
    %slice3A_12 = vector.extract_strided_slice %dot_general3A_5 {offsets = [0, 256], sizes = [1000, 128], strides = [1, 1]} : vector<1000x512xf32> to vector<1000x128xf32>
    %swap3A_13 = arith.constant 0 : index
    %swap3A_14 = arith.constant 0 : index
    %swap3A_15 = vector.load %arg5[%swap3A_13, %swap3A_14] : memref<1000x128xf32, #tpu.memory_space<vmem>>, vector<1000x128xf32>
    tpu.vector_store %arg5[%swap3A_13, %swap3A_14], %slice3A_12 {strides = array<i32>} : memref<1000x128xf32, #tpu.memory_space<vmem>>, vector<1000x128xf32>,
    %slice3A_16 = vector.extract_strided_slice %dot_general3A_5 {offsets = [0, 384], sizes = [1000, 128], strides = [1, 1]} : vector<1000x512xf32> to vector<1000x128xf32>
    %swap3A_17 = arith.constant 0 : index
    %swap3A_18 = arith.constant 0 : index
    %swap3A_19 = vector.load %arg6[%swap3A_17, %swap3A_18] : memref<1000x128xf32, #tpu.memory_space<vmem>>, vector<1000x128xf32>
    tpu.vector_store %arg6[%swap3A_17, %swap3A_18], %slice3A_16 {strides = array<i32>} : memref<1000x128xf32, #tpu.memory_space<vmem>>, vector<1000x128xf32>,
    return
  }
  func.func @transform_0(%arg0: i32) -> (i32, i32) {
    %c0_i32 = arith.constant 0 : i32
    %c0_i32_0 = arith.constant 0 : i32
    return %arg0, %c0_i32 : i32, i32
  }
  func.func @transform_1(%arg0: i32) -> (i32, i32) {
    %c0_i32 = arith.constant 0 : i32
    %c0_i32_0 = arith.constant 0 : i32
    %c0_i32_1 = arith.constant 0 : i32
    return %c0_i32, %c0_i32_0 : i32, i32
  }
  func.func @transform_2(%arg0: i32) -> (i32, i32) {
    %c0_i32 = arith.constant 0 : i32
    %c0_i32_0 = arith.constant 0 : i32
    return %arg0, %c0_i32 : i32, i32
  }
  func.func @transform_3(%arg0: i32) -> (i32, i32) {
    %c0_i32 = arith.constant 0 : i32
    %c0_i32_0 = arith.constant 0 : i32
    return %arg0, %c0_i32 : i32, i32
  }
  func.func @transform_4(%arg0: i32) -> (i32, i32) {
    %c0_i32 = arith.constant 0 : i32
    %c0_i32_0 = arith.constant 0 : i32
    return %arg0, %c0_i32 : i32, i32
  }
  func.func @transform_5(%arg0: i32) -> (i32, i32) {
    %c0_i32 = arith.constant 0 : i32
    %c0_i32_0 = arith.constant 0 : i32
    return %arg0, %c0_i32 : i32, i32
  }
}

module attributes {stable_mosaic.version = 14 : i64} {
  func.func @_final_body(%arg0: i32, %arg1: memref<2x1000x128xf32, #tpu.memory_space<vmem>>, %arg2: memref<1000x1xf32, #tpu.memory_space<vmem>>, %arg3: memref<1000x1xf32, #tpu.memory_space<vmem>>, %arg4: memref<1000x128xf32, #tpu.memory_space<vmem>>, %arg5: memref<128x1024xf32, #tpu.memory_space<vmem>>, %arg6: memref<1x1024xf32, #tpu.memory_space<vmem>>, %arg7: memref<1000x1024xf32, #tpu.memory_space<vmem>>) attributes {dimension_semantics = [#tpu.dimension_semantics<arbitrary>], iteration_bounds = array<i64: 10>, scalar_prefetch = 0 : i64, scratch_operands = 0 : i64, tpu.core_type = #tpu.core_type<tc>, window_params = [{transform_indices = @transform_0, window_bounds = array<i64: 2, 1000, 128>}, {transform_indices = @transform_1, window_bounds = array<i64: 1000, 1>}, {transform_indices = @transform_2, window_bounds = array<i64: 1000, 1>}, {transform_indices = @transform_3, window_bounds = array<i64: 1000, 128>}, {pipeline_mode = #tpu.pipeline_mode<synchronous>, transform_indices = @transform_4, window_bounds = array<i64: 128, 1024>}, {pipeline_mode = #tpu.pipeline_mode<synchronous>, transform_indices = @transform_5, window_bounds = array<i64: 1, 1024>}, {transform_indices = @transform_6, window_bounds = array<i64: 1000, 1024>}]} {
    %get3A = arith.constant 0 : index
    %get3A_0 = arith.constant 0 : index
    %get3A_1 = arith.constant 0 : index
    %get3A_2 = vector.load %arg1[%get3A, %get3A_0, %get3A_1] : memref<2x1000x128xf32, #tpu.memory_space<vmem>>, vector<1x1000x128xf32>
    %get3A_3 = vector.shape_cast %get3A_2 : vector<1x1000x128xf32> to vector<1000x128xf32>
    %get3A_4 = arith.constant 1 : index
    %get3A_5 = arith.constant 0 : index
    %get3A_6 = arith.constant 0 : index
    %get3A_7 = vector.load %arg1[%get3A_4, %get3A_5, %get3A_6] : memref<2x1000x128xf32, #tpu.memory_space<vmem>>, vector<1x1000x128xf32>
    %get3A_8 = vector.shape_cast %get3A_7 : vector<1x1000x128xf32> to vector<1000x128xf32>
    %add3A = arith.addf %get3A_3, %get3A_8 : vector<1000x128xf32>
    %get3A_9 = arith.constant 0 : index
    %get3A_10 = arith.constant 0 : index
    %get3A_11 = vector.load %arg2[%get3A_9, %get3A_10] : memref<1000x1xf32, #tpu.memory_space<vmem>>, vector<1000x1xf32>
    %get3A_12 = arith.constant 0 : index
    %get3A_13 = arith.constant 0 : index
    %get3A_14 = vector.load %arg3[%get3A_12, %get3A_13] : memref<1000x1xf32, #tpu.memory_space<vmem>>, vector<1000x1xf32>
    %add3A_15 = arith.addf %get3A_11, %get3A_14 : vector<1000x1xf32>
    %add3A_16 = arith.constant 1.000000e-16 : f32
    %add3A_17 = vector.broadcast %add3A_16 : f32 to vector<1000x1xf32>
    %add3A_18 = arith.addf %add3A_15, %add3A_17 : vector<1000x1xf32>
    %div3A = vector.broadcast %add3A_18 : vector<1000x1xf32> to vector<1000x128xf32>
    %div3A_19 = arith.divf %add3A, %div3A : vector<1000x128xf32>
    %get3A_20 = arith.constant 0 : index
    %get3A_21 = arith.constant 0 : index
    %get3A_22 = vector.load %arg4[%get3A_20, %get3A_21] : memref<1000x128xf32, #tpu.memory_space<vmem>>, vector<1000x128xf32>
    %add3A_23 = arith.addf %div3A_19, %get3A_22 : vector<1000x128xf32>
    %get3A_24 = arith.constant 0 : index
    %get3A_25 = arith.constant 0 : index
    %get3A_26 = vector.load %arg5[%get3A_24, %get3A_25] : memref<128x1024xf32, #tpu.memory_space<vmem>>, vector<128x1024xf32>
    %dot_general3A = arith.constant dense<0.000000e+00> : vector<1000x1024xf32>
    %dot_general3A_27 = tpu.matmul %add3A_23, %get3A_26, %dot_general3A {dimension_numbers = #tpu.dot_dimension_numbers<[1], [0], [0], [1], [0, 0, 1, 1], [], []>, transpose_lhs_hint = false} : vector<1000x128xf32>, vector<128x1024xf32>, vector<1000x1024xf32> -> vector<1000x1024xf32>
    %get3A_28 = arith.constant 0 : index
    %get3A_29 = arith.constant 0 : index
    %get3A_30 = vector.load %arg6[%get3A_28, %get3A_29] : memref<1x1024xf32, #tpu.memory_space<vmem>>, vector<1x1024xf32>
    %add3A_31 = vector.broadcast %get3A_30 : vector<1x1024xf32> to vector<1000x1024xf32>
    %add3A_32 = arith.addf %dot_general3A_27, %add3A_31 : vector<1000x1024xf32>
    %swap3A = arith.constant 0 : index
    %swap3A_33 = arith.constant 0 : index
    %swap3A_34 = vector.load %arg7[%swap3A, %swap3A_33] : memref<1000x1024xf32, #tpu.memory_space<vmem>>, vector<1000x1024xf32>
    tpu.vector_store %arg7[%swap3A, %swap3A_33], %add3A_32 {strides = array<i32>} : memref<1000x1024xf32, #tpu.memory_space<vmem>>, vector<1000x1024xf32>,
    return
  }
  func.func @transform_0(%arg0: i32) -> (i32, i32, i32) {
    %c0_i32 = arith.constant 0 : i32
    %c0_i32_0 = arith.constant 0 : i32
    %c0_i32_1 = arith.constant 0 : i32
    return %c0_i32, %arg0, %c0_i32_0 : i32, i32, i32
  }
  func.func @transform_1(%arg0: i32) -> (i32, i32) {
    %c0_i32 = arith.constant 0 : i32
    %c0_i32_0 = arith.constant 0 : i32
    return %arg0, %c0_i32 : i32, i32
  }
  func.func @transform_2(%arg0: i32) -> (i32, i32) {
    %c0_i32 = arith.constant 0 : i32
    %c0_i32_0 = arith.constant 0 : i32
    return %arg0, %c0_i32 : i32, i32
  }
  func.func @transform_3(%arg0: i32) -> (i32, i32) {
    %c0_i32 = arith.constant 0 : i32
    %c0_i32_0 = arith.constant 0 : i32
    return %arg0, %c0_i32 : i32, i32
  }
  func.func @transform_4(%arg0: i32) -> (i32, i32) {
    %c0_i32 = arith.constant 0 : i32
    %c0_i32_0 = arith.constant 0 : i32
    %c0_i32_1 = arith.constant 0 : i32
    return %c0_i32, %c0_i32_0 : i32, i32
  }
  func.func @transform_5(%arg0: i32) -> (i32, i32) {
    %c0_i32 = arith.constant 0 : i32
    %c0_i32_0 = arith.constant 0 : i32
    %c0_i32_1 = arith.constant 0 : i32
    return %c0_i32, %c0_i32_0 : i32, i32
  }
  func.func @transform_6(%arg0: i32) -> (i32, i32) {
    %c0_i32 = arith.constant 0 : i32
    %c0_i32_0 = arith.constant 0 : i32
    return %arg0, %c0_i32 : i32, i32
  }
}

</mosaic_0001>

<sc_bundles>
// kernel: kernel.5.cloned.1.call-start
scs
__scs_entry_jumppad:
0x0: {  	(pc) =	sbr.rel $0x88, $3  }
0x1: {  	(tag) =	ssettag $0x0;
	lr =	simm.s32 $0x1  }
0x2: {  	[smem:$0x3F99] =	sst lr;
	_ =	strace $0xD0000000  }
0x3: {  	_ = 	snop  }
0x4: {  	_ = 	snop  }
0x5: {  	_ = 	snop  }
0x6: {  	_ = 	snop  }
0x7: {  	_ = 	snop  }
__scs_overlays_trampoline_lowered:
0x8: {  	[smem:$0x3FA8] =	sst s0  }
0x9: {  	[smem:$0x3FA9] =	sst s1  }
0xa: {  	[smem:$0x3FAA] =	sst s2  }
0xb: {  	[smem:$0x3FAB] =	sst s3  }
0xc: {  	[smem:$0x3FAC] =	sst s4  }
0xd: {  	[smem:$0x3FAD] =	sst s5  }
0xe: {  	[smem:$0x3FAE] =	sst s6  }
0xf: {  	[smem:$0x3FAF] =	sst s7  }
0x10: {  	[smem:$0x3FB0] =	sst s8  }
0x11: {  	[smem:$0x3FB1] =	sst s9;
	s0 =	simm.s32 @!p0 $0x0  }
0x12: {  	s1 =	sld [smem:$0x3F97];
	s0 =	simm.s32 @p0 $0x1  }
0x13: {  	[smem:$0x3FB2] =	sst s0;
	s0 =	simm.s32 @!p1 $0x0  }
0x14: {  	s2 =	sld [smem:$0x3F96];
	s0 =	simm.s32 @p1 $0x1  }
0x15: {  	[smem:$0x3FB3] =	sst s0;
	s0 =	simm.s32 @!p2 $0x0  }
0x16: {  	s3 =	sld [smem:$0x3FDB];
	s0 =	simm.s32 @p2 $0x1  }
0x17: {  	s4 =	simm.s32 $0x1BF5;
	[smem:$0x3FB5] =	sst s0  }
0x18: {  	s0 =	sld [smem:$0x3F98];
	_ =	swait.ge [sflag:s4], $0x0  }
0x19: {  	s7 =	sld [smem:$0x3F99]  }
0x1a: {  	s8 =	sadd.s32 $0xFFFFE003, lr  }
0x1b: {  	s9 =	sadd.s32 $0xFFFFFEF7, lr;
	s5 =	simm.s32 $0xFFFFFFFF;
	p2 =	slt.u32 s8, $0xFFFFF086  }
0x1c: {  	p1 =	slt.u32 s9, $0xF7A;
	s5 =	simm.s32 @!p2 $0x0  }
0x1d: {  	s5 =	simm.s32 @p1 $0x1;
	p0 =	seq.s32 s7, s2  }
0x1e: {  	s7 =	smul.u32 @!p0 $0xF7A, s2;
	p2 =	seq.s32 @!p0 s5, $0x0  }
0x1f: {  	s9 =	smul.u32 $0xF7A, s1;
	s8 =	simm.s32 @!p0 $0x1BF5;
	p2 =	por !p2, p0  }
0x20: {  	[sflag:s8] =	ssyncset.s32 @!p0 $0xFFFFF086;
	s6 =	sadd.s32 @!p0 s3, s7;
	s7 =	simm.s32 @!p0 $0x108  }
0x21: {  	s3 =	sadd.s32 s3, s9;
	s6 =	sadd.s32 @!p0 $0x88, s6;
	s7 =	simm.s32 @p2 $0x1082  }
0x22: {  	[simem:s7], [sflag:s8] =	dma.local @!p0 [hbm:s6], $0xF7A  }
0x23: {  	s9 =	sor.u32 $0xD0000000, s2;
	s6 =	simm.s32 $0x108;
	_ =	swait.ge @!p0 [sflag:s8], $0x0  }
0x24: {  	s3 =	sadd.s32 $0x88, s3;
	s6 =	simm.s32 @!p1 $0x1082;
	[sflag:s4] =	ssyncset.s32 $0xFFFFF086  }
0x25: {  	[simem:s6], [sflag:s4] =	dma.local [hbm:s3], $0xF7A  }
0x26: {  	[smem:$0x3F99] =	sst s1;
	(tag) =	ssettag s2;
	_ =	strace s9  }
0x27: {  	s1 =	sld [smem:$0x3FA9]  }
0x28: {  	s2 =	sld [smem:$0x3FAA]  }
0x29: {  	s4 =	sld [smem:$0x3FAC]  }
0x2a: {  	p0 =	seq.s32 s5, $0x0;
	s5 =	sld [smem:$0x3FAD]  }
0x2b: {  	s6 =	sld [smem:$0x3FAE]  }
0x2c: {  	s7 =	sld [smem:$0x3FAF]  }
0x2d: {  	s3 =	simm.s32 $0x108;
	s8 =	sld [smem:$0x3FB0]  }
0x2e: {  	s3 =	simm.s32 @!p0 $0x1082;
	s9 =	sld [smem:$0x3FB1]  }
0x2f: {  	lr =	sadd.s32 s0, s3;
	s0 =	sld [smem:$0x3FA8]  }
0x30: {  	s3 =	sld [smem:$0x3FAB]  }
0x31: {  	[smem:$0x3FB4] =	sst s10  }
0x32: {  	s10 =	sld [smem:$0x3FB2];
	_ =	sdelay $0x3  }
0x33: {  	p0 =	seq.s32 s10, $0x1;
	s10 =	sld [smem:$0x3FB4];
	_ =	sdelay $0x3  }
0x34: {  	[smem:$0x3FB4] =	sst s10  }
0x35: {  	s10 =	sld [smem:$0x3FB3];
	_ =	sdelay $0x3  }
0x36: {  	p1 =	seq.s32 s10, $0x1;
	s10 =	sld [smem:$0x3FB4];
	_ =	sdelay $0x3  }
0x37: {  	[smem:$0x3FB4] =	sst s10  }
0x38: {  	s10 =	sld [smem:$0x3FB5]  }
0x39: {  	_ = 	snop;
	(pc) =	sbr.ind lr, $3  }
0x3a: {  	_ = 	snop  }
0x3b: {  	_ = 	snop  }
0x3c: {  	p2 =	seq.s32 s10, $0x1;
	s10 =	sld [smem:$0x3FB4]  }
0x3d: {  	_ =	shalt  }
0x3e: {  	_ =	shalt  }
0x3f: {  	_ =	shalt  }
0x40: {  	_ =	shalt  }
0x41: {  	_ =	shalt  }
0x42: {  	_ =	shalt  }
0x43: {  	_ =	shalt  }
0x44: {  	_ =	shalt  }
0x45: {  	_ =	shalt  }
0x46: {  	_ =	shalt  }
0x47: {  	_ =	shalt  }
0x48: {  	_ =	shalt  }
0x49: {  	_ =	shalt  }
0x4a: {  	_ =	shalt  }
0x4b: {  	_ =	shalt  }
0x4c: {  	_ =	shalt  }
0x4d: {  	_ =	shalt  }
0x4e: {  	_ =	shalt  }
0x4f: {  	_ =	shalt  }
0x50: {  	_ =	shalt  }
0x51: {  	_ =	shalt  }
0x52: {  	_ =	shalt  }
0x53: {  	_ =	shalt  }
0x54: {  	_ =	shalt  }
0x55: {  	_ =	shalt  }
0x56: {  	_ =	shalt  }
0x57: {  	_ =	shalt  }
0x58: {  	_ =	shalt  }
0x59: {  	_ =	shalt  }
0x5a: {  	_ =	shalt  }
0x5b: {  	_ =	shalt  }
0x5c: {  	_ =	shalt  }
0x5d: {  	_ =	shalt  }
0x5e: {  	_ =	shalt  }
0x5f: {  	_ =	shalt  }
0x60: {  	_ =	shalt  }
0x61: {  	_ =	shalt  }
0x62: {  	_ =	shalt  }
0x63: {  	_ =	shalt  }
0x64: {  	_ =	shalt  }
0x65: {  	_ =	shalt  }
0x66: {  	_ =	shalt  }
0x67: {  	_ =	shalt  }
0x68: {  	_ =	shalt  }
0x69: {  	_ =	shalt  }
0x6a: {  	_ =	shalt  }
0x6b: {  	_ =	shalt  }
0x6c: {  	_ =	shalt  }
0x6d: {  	_ =	shalt  }
0x6e: {  	_ =	shalt  }
0x6f: {  	_ =	shalt  }
0x70: {  	_ =	shalt  }
0x71: {  	_ =	shalt  }
0x72: {  	_ =	shalt  }
0x73: {  	_ =	shalt  }
0x74: {  	_ =	shalt  }
0x75: {  	_ =	shalt  }
0x76: {  	_ =	shalt  }
0x77: {  	_ =	shalt  }
0x78: {  	_ =	shalt  }
0x79: {  	_ =	shalt  }
0x7a: {  	_ =	shalt  }
0x7b: {  	_ =	shalt  }
0x7c: {  	_ =	shalt  }
0x7d: {  	_ =	shalt  }
0x7e: {  	_ =	shalt  }
0x7f: {  	_ =	shalt  }
0x80: {  	_ =	shalt  }
0x81: {  	_ =	shalt  }
0x82: {  	_ =	shalt  }
0x83: {  	_ =	shalt  }
0x84: {  	_ =	shalt  }
0x85: {  	_ =	shalt  }
0x86: {  	_ =	shalt  }
0x87: {  	_ =	shalt  }
.Lfunc_end0:
.L_simem_size_0:
called_computation_lowered:
.L_overlay_start_0:
0x88: {  	s2 =	sld [smem:$0x3FD9]  }
0x89: {  	s3 =	sld [smem:$0x3FFE];
	_ =	sdelay $0x1  }
0x8a: {  	s1 =	srdreg.scid  }
0x8b: {  	s0 =	sand.u32 $0x1, s1  }
0x8c: {  	s17 =	sshll.u32 s0, $0xA;
	s2 =	sadd.s32 s3, s2  }
0x8d: {  	s2 =	sadd.s32 s2, s17  }
0x8e: {  	[smem:$0x3FC0] =	sst s2  }
0x8f: {  	_ = 	snop  }
0x90: {  	s2 =	sld [smem:$0x3FD0];
	(tm) =	ssettm $0x1  }
0x91: {  	s18 =	sld [smem:$0x3FFB];
	_ =	sdelay $0x3  }
0x92: {  	_ =	strace s18  }
0x93: {  	s3 =	sld [smem:$0x3FFC];
	_ =	sdelay $0x3  }
0x94: {  	_ =	strace s3  }
0x95: {  	s3 =	sld [smem:$0x3FFD];
	_ =	sdelay $0x3  }
0x96: {  	_ =	strace s3  }
0x97: {  	_ =	strace $0x8FFFFFFF  }
0x98: {  	s19 =	sld [smem:$0x3FDB];
	_ =	sdelay $0x1  }
0x99: {  	s4 =	simm.s32 $_scs_section_size  }
0x9a: {  	s5 =	simm.s32 $_size__tile_overlayer_lowered;
	s6 =	simm.s32 $_tile_overlayer_lowered  }
0x9b: {  	s22 =	simm.s32 $0x1BFF;
	s21 =	sshll.u32 s6, $0x1;
	s3 =	sadd.s32 s4, s19  }
0x9c: {  	s7 =	simm.s32 $0x0;
	s20 =	sshll.u32 s5, $0x1;
	s5 =	sadd.s32 s21, s3  }
0x9d: {  	[timem:s7], [sflag:s22] =	dma.local [hbm:s5], s20  }
0x9e: {  	_ =	swait.ge [sflag:s22], s20  }
0x9f: {  	s4 =	ssub.s32 $0x0, s20;
	[sflag:s22] =	ssyncset.done $0x0  }
0xa0: {  	[sflag:s22] =	ssyncadd.s32 s4;
	_ =	sdelay $0x1  }
0xa1: {  	s23 =	simm.s32 $0x1B8B  }
0xa2: {  	_ =	swait.ge [sflag:s23], $0x1  }
0xa3: {  	[sflag:s23] =	ssyncset.done $0x0  }
0xa4: {  	s25 =	simm.s32 $0x1B8E;
	s24 =	sld [smem:$0x3FFE];
	[sflag:s23] =	ssyncadd.s32 $0xFFFFFFFF  }
0xa5: {  	s26 =	simm.s32 $execute0_lowered;
	[smem:$0x3FD2] =	sst s25  }
0xa6: {  	s5 =	sshll.u32 s26, $0x1;
	_ =	strace $0x80000046;
	[dreg:$0x1] =	wrdreg $0xFFFFFFFF  }
0xa7: {  	s28 =	simm.s32 $_size_execute0_lowered;
	s3 =	sadd.s32 s3, s5;
	[dreg:$0x0] =	wrdreg $0x0  }
0xa8: {  	s5 =	sshll.u32 s28, $0x1;
	[dreg:$0x2] =	wrdreg s3  }
0xa9: {  	[dreg:$0x3] =	wrdreg s5  }
0xaa: {  	[dreg:$0x4] =	wrdreg $0xC0  }
0xab: {  	_ =	task [dreg:s7], $0x5FFFF  }
0xac: {  	[dreg:$0x1] =	wrdreg $0xFFFFFFFF  }
0xad: {  	[dreg:$0x0] =	wrdreg $0x60  }
0xae: {  	[dreg:$0x2] =	wrdreg s2  }
0xaf: {  	[dreg:$0x3] =	wrdreg s24  }
0xb0: {  	[dreg:$0x4] =	wrdreg $0xA4000  }
0xb1: {  	[dreg:$0x5] =	wrdreg $0x1DC800  }
0xb2: {  	[dreg:$0x6] =	wrdreg $0x9  }
0xb3: {  	_ =	task.clear_ibuf [dreg:s7], $0x7FFFF;
	_ =	strace $0x90000046  }
0xb4: {  	s29 =	simm.s32 $0x9;
	_ =	strace $0x80000048  }
0xb5: {  	_ =	swait.ge [sflag:s29], $0x1  }
0xb6: {  	[sflag:s29] =	ssyncadd.s32 $0xFFFFFFFF  }
0xb7: {  	_ =	strace $0x90000048  }
0xb8: {  	_ =	sfence  }
0xb9: {  	s30 =	sld [smem:$0x0];
	_ =	sdelay $0x2  }
0xba: {  	s31 =	sshll.u32 s1, $0xD;
	s1 =	sshrl.u32 s1, $0x2  }
0xbb: {  	s3 =	sand.u32 $0x4000, s31;
	s1 =	sadd.s32 s1, s30  }
0xbc: {  	s0 =	sor.u32 s3, s0;
	s1 =	sshll.u32 s1, $0x11  }
0xbd: {  	s0 =	sor.u32 s1, s0  }
0xbe: {  	s0 =	sadd.s32 $0x8F2B, s0  }
0xbf: {  	[sflag:s0] =	ssyncadd.remote.s32 $0x1  }
0xc0: {  	_ =	sfence.sel $0xFFFF  }
0xc1: {  	[dreg:$0x0] =	wrdreg $0xFFFFFFFF;
	(pc) =	sbr.abs _section_cstart, $3  }
0xc2: {  	[dreg:$0x1] =	wrdreg $0xFFFFFFFF  }
0xc3: {  	_ =	task.clear_ibuf [dreg:s7], $0x2FFFF;
	_ =	strace $0x9FFFFFFF  }
0xc4: {  	(tm) =	ssettm $0x7FFFFFFF  }
0xc5: {  	_ =	shalt  }
tec
execute0_lowered:
.L_overlay_start_1:
0x0: {  	(tag) =	ssettag $0x1  }
0x1: {  	s0 =	rddreg [dreg:$0x1]  }
0x2: {  	s10 =	rddreg [dreg:$0x2]  }
0x3: {  	s24 =	rddreg [dreg:$0x3];
	s1 =	simm.s32 $0x0;
	s20 =	srdreg.scid  }
0x4: {  	s11 =	stileid.u32;
	s30 =	simm.s32 $0x5300;
	s4 =	simm.s32 $0x80  }
0x5: {  	s13 =	simm.s32 $0x7;
	s14 =	simm.s32 $0xA300;
	s16 =	simm.s32 $0x1  }
0x6: {  	s17 =	simm.s32 $0x3;
	[smem:$0x7FF] =	sst s1;
	s5 =	sadd.s32 $0x15000, s0  }
0x7: {  	s6 =	sadd.s32 $0x3C200, s0;
	s7 =	sadd.s32 $0xB200, s0;
	s1 =	sand.u32 $0x1, s20  }
0x8: {  	s9 =	sadd.s32 $0x1400, s0;
	s3 =	sshll.u32 s11, $0x1;
	s8 =	sadd.s32 $0x63A00, s0  }
0x9: {  	s21 =	sadd.s32 $0x63400, s0;
	s12 =	sadd.s32 $0x8AC00, s0;
	p0 =	seq.s32 s11, $0x0  }
0xa: {  	s20 =	simm.s32 $0x9;
	_ =	strace $0x80000047;
	[dreg:$0x5] =	wrdreg s8  }
0xb: {  	s2 =	smul.u32 $0x27100, s1;
	[dreg:$0x6] =	wrdreg s21;
	s3 =	sor.u32 s1, s3  }
0xc: {  	s22 =	ssub.s32 $0x2, s1;
	[dreg:$0x7] =	wrdreg s12;
	p1 =	seq.s32 s1, $0x1  }
0xd: {  	s1 =	sor.u32 s1, s11;
	s21 =	simm.s32 $0x8;
	s3 =	smul.u32 $0x2710, s3  }
0xe: {  	s23 =	sshrl.u32 s22, $0x1;
	p1 =	por !p0, !p1;
	p0 =	sne.s32 s11, $0x0  }
0xf: {  	p2 =	sne.s32 s1, $0x0;
	s2 =	sadd.s32 s2, s0;
	s0 =	sadd.s32 $0x8B200, s0  }
0x10: {  	s11 =	simm.s32 $0x4;
	s12 =	sshrl.u32 @!p0 s10, $0x3;
	[dreg:$0x8] =	wrdreg s0  }
0x11: {  	p1 =	por !p1, !p1;
	s31 =	sadd.s32 $0xA0, s3;
	[dreg:$0x11] =	wrdreg s12  }
0x12: {  	s25 =	sshrl.u32 s3, $0x3;
	s3 =	sadd.s32 $0xF0, s3;
	[dreg:$0xd] =	wrdreg s31  }
0x13: {  	s10 =	simm.s32 $0x2;
	s2 =	sadd.s32 $0x8B800, s2;
	[dreg:$0xe] =	wrdreg s3  }
0x14: {  	s0 =	ssub.s32 s22, s23;
	s26 =	sadd.s32 s7, s25;
	[dreg:$0xf] =	wrdreg s2  }
0x15: {  	s22 =	simm.s32 $0xA380;
	s28 =	sadd.s32 s9, s25;
	[dreg:$0x9] =	wrdreg s26  }
0x16: {  	s8 =	sadd.s32 $0xA, s25;
	s0 =	smax.u32 s0, $0x1;
	[dreg:$0xa] =	wrdreg s28  }
0x17: {  	s25 =	simm.s32 $0x50;
	s29 =	sadd.s32 s7, s8;
	[dreg:$0x10] =	wrdreg s0  }
0x18: {  	s3 =	simm.s32 $0x0;
	s8 =	sadd.s32 s9, s8;
	[dreg:$0xb] =	wrdreg s29  }
0x19: {  	v0 =	vlaneseq.u32;
	s0 =	simm.s32 $0x5;
	[dreg:$0xc] =	wrdreg s8;
	s8 =	simm.s32 $0x6  }
.LBB2_1:
0x1a: {  	[dreg:$0x12] =	wrdreg s3  }
0x1b: {  	s1 =	simm.s32 @!p0 $0x1C0D;
	s2 =	rddreg [dreg:$0x5]  }
0x1c: {  	[spmem:s12], [sflag:s1] =	dma.local @!p0 [hbm:s2], $0x27100  }
0x1d: {  	s2 =	simm.s32 @!p0 $0xD  }
0x1e: {  	_ =	swait.ge @!p0 [sflag:s2], $0x27100  }
0x1f: {  	[sflag:s2] =	ssyncset.done @!p0 $0x0  }
0x20: {  	s3 =	sshrl.u32 @!p0 s24, $0x3;
	s12 =	rddreg [dreg:$0x6];
	[sflag:s2] =	ssyncadd.s32 @!p0 $0xFFFD8F00  }
0x21: {  	[spmem:s3], [sflag:s1] =	dma.local @!p0 [hbm:s12], $0x4F0  }
0x22: {  	_ =	swait.ge @!p0 [sflag:s2], $0x4F0  }
0x23: {  	[sflag:s2] =	ssyncset.done @!p0 $0x0  }
0x24: {  	[sflag:s2] =	ssyncadd.s32 @!p0 $0xFFFFFB10  }
0x25: {  	[bflag:$0x0] =	sbarrier.arrive $0xFFFF  }
0x26: {  	s12 =	simm.s32 $0x0;
	s3 =	simm.s32 $0xD;
	s2 =	rddreg [dreg:$0x9]  }
0x27: {  	[tilespmem:s12], [sflag:$0xD] =	stream.linear.gather [hbm4b:s2+s12], $0x50, $0x38;
	[tilespmem:$0x1DEF8] =	vst v63  }
0x28: {  	_ =	swait.ge [sflag:s3], $0x50  }
0x29: {  	[sflag:s3] =	ssyncset.done $0x0  }
0x2a: {  	s18 =	simm.s32 $0x100;
	s15 =	rddreg [dreg:$0xa];
	[sflag:s3] =	ssyncadd.s32 $0xFFFFFFB0  }
0x2b: {  	[tilespmem:s18], [sflag:$0xD] =	stream.linear.gather [hbm4b:s15+s12], $0x50, $0x38;
	[tilespmem:$0x1DEF8] =	vst v63  }
0x2c: {  	_ =	swait.ge [sflag:s3], $0x50  }
0x2d: {  	[sflag:s3] =	ssyncset.done $0x0  }
0x2e: {  	[sflag:s3] =	ssyncadd.s32 $0xFFFFFFB0  }
0x2f: {  	s23 =	simm.s32 $0x300;
	s19 =	rddreg [dreg:$0x0]  }
0x30: {  	[tilespmem:s23], [sflag:$0x5] =	stream.indirect.gather [hbm4b:s19+s25], $0x80, s18, s25, $0xb8;
	[tilespmem:$0x1DEF8] =	vst v63  }
0x31: {  	s26 =	simm.s32 $0x2B00  }
0x32: {  	[tilespmem:s26], [sflag:$0x6] =	stream.indirect.gather [hbm4b:s5+s25], $0x80, s12, s25, $0xb8;
	[tilespmem:$0x1DEF8] =	vst v63  }
0x33: {  	_ = 	snop  }
0x34: {  	[tilespmem:s30], [sflag:$0x7] =	stream.indirect.gather [hbm4b:s6+s25], $0x80, s12, s25, $0xb8;
	[tilespmem:$0x1DEF8] =	vst v63  }
0x35: {  	s31 =	simm.s32 $0x0;
	s28 =	rddreg [dreg:$0xb]  }
0x36: {  	[tilespmem:s4], [sflag:$0x2] =	stream.linear.gather [hbm4b:s28+s12], $0x50, $0x38;
	[tilespmem:$0x1DEF8] =	vst v63  }
0x37: {  	s15 =	simm.s32 $0x100;
	s29 =	rddreg [dreg:$0xc];
	s30 =	simm.s32 $0x180  }
0x38: {  	[tilespmem:s30], [sflag:$0x4] =	stream.linear.gather [hbm4b:s29+s12], $0x50, $0x38;
	[tilespmem:$0x1DEF8] =	vst v63  }
.LBB2_2:
0x39: {  	_ =	swait.ge [sflag:s0], $0x2800  }
0x3a: {  	[sflag:s0] =	ssyncset.done $0x0  }
0x3b: {  	[sflag:s0] =	ssyncadd.s32 $0xFFFFD800  }
0x3c: {  	_ =	swait.ge [sflag:s8], $0x2800  }
0x3d: {  	p3 =	seq.s32 s31, $0x0;
	[sflag:s8] =	ssyncset.done $0x0  }
0x3e: {  	s1 =	simm.s32 @!p3 $0xB;
	[sflag:s8] =	ssyncadd.s32 $0xFFFFD800  }
0x3f: {  	s29 =	simm.s32 $0x5300;
	_ =	swait.ge @!p3 [sflag:s1], $0x50  }
0x40: {  	s2 =	simm.s32 $0x340;
	s18 =	simm.s32 $0x2B40;
	[sflag:s1] =	ssyncset.done @!p3 $0x0  }
0x41: {  	s19 =	simm.s32 $0x0;
	[sflag:s1] =	ssyncadd.s32 @!p3 $0xFFFFFFB0;
	s1 =	simm.s32 $0x0  }
.LBB2_3:
0x42: {  	v1 =	vld [tilespmem:s2+$0xFFFFFFC0]  }
0x43: {  	v2 =	vld [tilespmem:s18+$0xFFFFFFC0]  }
0x44: {  	v3 =	vld [tilespmem:s2+$0xFFFFFFD0]  }
0x45: {  	v4 =	vld [tilespmem:s18+$0xFFFFFFD0]  }
0x46: {  	v5 =	vld [tilespmem:s2+$0xFFFFFFE0]  }
0x47: {  	v6 =	vld [tilespmem:s18+$0xFFFFFFE0]  }
0x48: {  	v7 =	vld [tilespmem:s2+$0xFFFFFFF0]  }
0x49: {  	v8 =	vld [tilespmem:s18+$0xFFFFFFF0]  }
0x4a: {  	v1 =	vmul.f32 v2, v1;
	v2 =	vmul.f32 v4, v3;
	v3 =	vld [tilespmem:s2+$0x0]  }
0x4b: {  	v4 =	vld [tilespmem:s18+$0x0]  }
0x4c: {  	v1 =	vadd.f32 v2, v1;
	v2 =	vmul.f32 v6, v5;
	v5 =	vld [tilespmem:s2+$0x10]  }
0x4d: {  	v6 =	vld [tilespmem:s18+$0x10]  }
0x4e: {  	v1 =	vadd.f32 v2, v1;
	v2 =	vmul.f32 v8, v7;
	v7 =	vld [tilespmem:s2+$0x20]  }
0x4f: {  	v8 =	vld [tilespmem:s18+$0x20]  }
0x50: {  	v1 =	vadd.f32 v2, v1;
	v2 =	vmul.f32 v4, v3;
	v3 =	vld [tilespmem:s2+$0x30]  }
0x51: {  	s3 =	sadd.s32 $0x80, s2;
	v4 =	vld [tilespmem:s18+$0x30]  }
0x52: {  	s12 =	sadd.s32 $0x80, s18;
	v9 =	vld [tilespmem:s3+$0xFFFFFFC0];
	v1 =	vadd.f32 v2, v1;
	v2 =	vmul.f32 v6, v5  }
0x53: {  	v5 =	vld [tilespmem:s12+$0xFFFFFFC0]  }
0x54: {  	v6 =	vld [tilespmem:s3+$0xFFFFFFD0];
	v1 =	vadd.f32 v2, v1;
	v2 =	vmul.f32 v8, v7  }
0x55: {  	v7 =	vld [tilespmem:s12+$0xFFFFFFD0]  }
0x56: {  	v8 =	vld [tilespmem:s3+$0xFFFFFFE0];
	v1 =	vadd.f32 v2, v1;
	v2 =	vmul.f32 v4, v3  }
0x57: {  	v3 =	vld [tilespmem:s12+$0xFFFFFFE0]  }
0x58: {  	v4 =	vld [tilespmem:s3+$0xFFFFFFF0];
	v1 =	vadd.f32 v2, v1  }
0x59: {  	v2 =	vld [tilespmem:s12+$0xFFFFFFF0]  }
0x5a: {  	v5 =	vmul.f32 v5, v9;
	v6 =	vmul.f32 v7, v6;
	v7 =	vld [tilespmem:s3+$0x0];
	(xrf2) =	vadd.scan.msk.f32 $0xffff, v1  }
0x5b: {  	v1 =	vld [tilespmem:s12+$0x0]  }
0x5c: {  	v5 =	vadd.f32 v6, v5;
	v3 =	vmul.f32 v3, v8;
	v6 =	vld [tilespmem:s3+$0x10]  }
0x5d: {  	v8 =	vld [tilespmem:s12+$0x10]  }
0x5e: {  	v10 =	vld [tilespmem:s12+$0x20];
	v3 =	vadd.f32 v3, v5;
	v2 =	vmul.f32 v2, v4  }
0x5f: {  	v5 =	vld [tilespmem:s3+$0x20]  }
0x60: {  	v9 =	vadd.f32 v2, v3;
	v1 =	vmul.f32 v1, v7;
	v2 =	vld [tilespmem:s3+$0x30]  }
0x61: {  	s30 =	sadd.s32 $0x80, s12;
	v3 =	vld [tilespmem:s12+$0x30]  }
0x62: {  	s23 =	sadd.s32 $0x80, s3;
	v11 =	vld [tilespmem:s30+$0xFFFFFFD0];
	v6 =	vmul.f32 v8, v6;
	v7 =	vadd.f32 v1, v9  }
0x63: {  	v4 =	vld [tilespmem:s23+$0xFFFFFFC0]  }
0x64: {  	s28 =	simm.s32 $0x1;
	v8 =	vld [tilespmem:s30+$0xFFFFFFC0];
	v10 =	vmul.f32 v10, v5;
	v6 =	vadd.f32 v6, v7;
	v12, _, _ =	vpop (xrf2)  }
0x65: {  	s26 =	simm.s32 $0x2;
	s12 =	sshll.u32 s19, $0x4;
	s3 =	simm.s32 $0x3;
	v1 =	vimm.f32 $0.0e+00;
	v9 =	vld [tilespmem:s23+$0xFFFFFFD0];
	v7 =	vmov s1;
	v5 =	vbroadcast v12, $0xF  }
.LBB2_4:
0x66: {  	p4 =	sne.s32 s3, $0xF;
	v12 =	vld [tilespmem:s23+$0xFFFFFFE0];
	v6 =	vadd.f32 v10, v6;
	v2 =	vmul.f32 v3, v2;
	vm0 =	veq.s32 v7, v0  }
0x67: {  	v3 =	vld [tilespmem:s30+$0xFFFFFFE0];
	v1 =	vsel vm0, v5, v1  }
0x68: {  	v5 =	vld [tilespmem:s23+$0xFFFFFFF0];
	v2 =	vadd.f32 v2, v6  }
0x69: {  	v6 =	vld [tilespmem:s30+$0xFFFFFFF0]  }
0x6a: {  	v4 =	vmul.f32 v8, v4;
	v7 =	vmul.f32 v11, v9;
	v8 =	vld [tilespmem:s23+$0x0];
	(xrf2) =	vadd.scan.msk.f32 $0xffff, v2  }
0x6b: {  	v2 =	vld [tilespmem:s30+$0x0]  }
0x6c: {  	v4 =	vadd.f32 v7, v4;
	v3 =	vmul.f32 v3, v12;
	v7 =	vld [tilespmem:s23+$0x10]  }
0x6d: {  	v9 =	vld [tilespmem:s30+$0x10]  }
0x6e: {  	v3 =	vadd.f32 v3, v4;
	v4 =	vmul.f32 v6, v5;
	v5 =	vld [tilespmem:s23+$0x20]  }
0x6f: {  	v10 =	vld [tilespmem:s30+$0x20]  }
0x70: {  	v6 =	vadd.f32 v4, v3;
	v8 =	vmul.f32 v2, v8;
	v2 =	vld [tilespmem:s23+$0x30]  }
.Ltmp0:
0x71: {  	s23 =	sadd.s32 $0x80, s23;
	v3 =	vld [tilespmem:s30+$0x30];
	(pc) =	sbr.rel @p4 .LBB2_4-.Ltmp0, $4  }
0x72: {  	s30 =	sadd.s32 $0x80, s30;
	v4 =	vld [tilespmem:s23+$0xFFFFFFC0];
	v6 =	vadd.f32 v8, v6;
	v7 =	vmul.f32 v9, v7  }
0x73: {  	v8 =	vld [tilespmem:s30+$0xFFFFFFC0]  }
0x74: {  	v9 =	vld [tilespmem:s23+$0xFFFFFFD0];
	v6 =	vadd.f32 v7, v6;
	v10 =	vmul.f32 v10, v5;
	v5, _, _ =	vpop (xrf2)  }
0x75: {  	v7 =	vmov s28;
	s28 =	smov.u32 s26;
	s26 =	smov.u32 s3;
	s3 =	sadd.s32 $0x1, s3;
	v11 =	vld [tilespmem:s30+$0xFFFFFFD0];
	v5 =	vbroadcast v5, $0xF  }
0x76: {  	v12 =	vld [tilespmem:s23+$0xFFFFFFE0]  }
0x77: {  	v13 =	vld [tilespmem:s30+$0xFFFFFFE0]  }
0x78: {  	v14 =	vld [tilespmem:s23+$0xFFFFFFF0]  }
0x79: {  	v15 =	vld [tilespmem:s30+$0xFFFFFFF0]  }
0x7a: {  	v49 =	vld [tilespmem:s23+$0x0];
	v4 =	vmul.f32 v8, v4;
	v48 =	vmul.f32 v11, v9  }
0x7b: {  	v50 =	vld [tilespmem:s30+$0x0]  }
0x7c: {  	v52 =	vld [tilespmem:s23+$0x10];
	v51 =	vmul.f32 v13, v12;
	v4 =	vadd.f32 v48, v4  }
0x7d: {  	v53 =	vld [tilespmem:s30+$0x10]  }
0x7e: {  	v55 =	vld [tilespmem:s23+$0x20];
	v54 =	vmul.f32 v15, v14;
	v4 =	vadd.f32 v51, v4  }
0x7f: {  	v56 =	vld [tilespmem:s30+$0x20]  }
0x80: {  	v58 =	vld [tilespmem:s23+$0x30];
	v57 =	vmul.f32 v50, v49;
	v4 =	vadd.f32 v54, v4  }
0x81: {  	v59 =	vld [tilespmem:s30+$0x30]  }
0x82: {  	v60 =	vmul.f32 v53, v52;
	v4 =	vadd.f32 v57, v4;
	_ =	sdelay $0x1  }
0x83: {  	v61 =	vmul.f32 v56, v55;
	v4 =	vadd.f32 v60, v4  }
0x84: {  	v6 =	vadd.f32 v10, v6;
	v2 =	vmul.f32 v3, v2  }
0x85: {  	v62 =	vmul.f32 v59, v58;
	v3 =	vadd.f32 v61, v4  }
0x86: {  	v2 =	vadd.f32 v2, v6  }
0x87: {  	v3 =	vadd.f32 v62, v3  }
0x88: {  	(xrf2) =	vadd.scan.msk.f32 $0xffff, v2  }
0x89: {  	(xrf2) =	vadd.scan.msk.f32 $0xffff, v3;
	_ =	sdelay $0x8  }
0x8a: {  	vm0 =	veq.s32 v7, v0;
	v2, _, _ =	vpop (xrf2)  }
0x8b: {  	v1 =	vsel vm0, v5, v1;
	v2 =	vbroadcast v2, $0xF;
	v3 =	vmov s28;
	v63, _, _ =	vpop (xrf2)  }
0x8c: {  	vm14 =	veq.s32 v3, v0;
	v3 =	vmov s26;
	v4 =	vbroadcast v63, $0xF  }
0x8d: {  	v1 =	vsel vm14, v2, v1;
	vm15 =	veq.s32 v3, v0  }
0x8e: {  	v1 =	vsel vm15, v4, v1  }
0x8f: {  	v1 =	vmax.f32 v1, $-6.000000000e+01  }
0x90: {  	v1 =	vmin.f32 v1, $6.000000000e+01  }
0x91: {  	v1 =	vmul.f32 $1.442695020e+00, v1;
	_ =	sdelay $0x1  }
0x92: {  	(erf) = vpow2.f32 v1;
	_ =	sdelay $0x3  }
0x93: {  	s19 =	sadd.s32 $0x1, s19  }
0x94: {  	p4 =	sne.s32 s19, $0x5  }
.Ltmp1:
0x95: {  	_ = 	snop;
	(pc) =	sbr.rel @p4 .LBB2_3-.Ltmp1, $3  }
0x96: {  	_ =	sdelay $0x1  }
0x97: {  	v1 =	vpop (erf)  }
0x98: {  	s2 =	sadd.s32 $0x800, s2;
	s18 =	sadd.s32 $0x800, s18;
	[tilespmem:s12+$0xA300] =	vst v1  }
0x99: {  	_ =	swait.ge [sflag:s10], $0x50  }
0x9a: {  	[sflag:s10] =	ssyncset.done $0x0  }
0x9b: {  	[sflag:s10] =	ssyncadd.s32 $0xFFFFFFB0  }
0x9c: {  	_ =	swait.ge [sflag:s11], $0x50  }
0x9d: {  	[sflag:s11] =	ssyncset.done $0x0  }
0x9e: {  	[sflag:s11] =	ssyncadd.s32 $0xFFFFFFB0  }
0x9f: {  	s2 =	simm.s32 $0x300;
	s3 =	simm.s32 $0x180;
	s1 =	rddreg [dreg:$0x0]  }
0xa0: {  	[tilespmem:s2], [sflag:$0x5] =	stream.indirect.gather [hbm4b:s1+s25], $0x80, s3, s25, $0xb8;
	[tilespmem:$0x1DEF8] =	vst v63  }
0xa1: {  	s19 =	simm.s32 $0x2B00;
	s23 =	simm.s32 $0x80;
	s1 =	simm.s32 @!p3 $0xA  }
0xa2: {  	[tilespmem:s19], [sflag:$0x6] =	stream.indirect.gather [hbm4b:s5+s25], $0x80, s23, s25, $0xb8;
	[tilespmem:$0x1DEF8] =	vst v63  }
0xa3: {  	_ =	swait.ge @!p3 [sflag:s1], $0x2800  }
0xa4: {  	[sflag:s1] =	ssyncset.done @!p3 $0x0  }
0xa5: {  	s26 =	simm.s32 $0x7B00;
	[sflag:s1] =	ssyncadd.s32 @!p3 $0xFFFFD800  }
0xa6: {  	[tilespmem:s26], [sflag:$0x8] =	stream.indirect.gather [hbm4b:s6+s25], $0x80, s23, s25, $0xb8;
	[tilespmem:$0x1DEF8] =	vst v63  }
0xa7: {  	v1 =	vld [tilespmem:$0x100]  }
0xa8: {  	v2 =	vld [tilespmem:$0x110]  }
0xa9: {  	v3 =	vld [tilespmem:$0x120]  }
0xaa: {  	v4 =	vld [tilespmem:$0x130]  }
0xab: {  	v5 =	vld [tilespmem:$0x140]  }
0xac: {  	[tilespmem:$0x200] =	vst v1  }
0xad: {  	[tilespmem:$0x210] =	vst v2  }
0xae: {  	[tilespmem:$0x220] =	vst v3  }
0xaf: {  	[tilespmem:$0x230] =	vst v4  }
0xb0: {  	[tilespmem:$0x240] =	vst v5  }
0xb1: {  	s1 =	smul.u32 $0xA0, s31;
	_ =	swait.ge [sflag:s13], $0x2800  }
0xb2: {  	s28 =	rddreg [dreg:$0xd]  }
0xb3: {  	s2 =	sadd.s32 s1, s28  }
0xb4: {  	[sflag:s13] =	ssyncset.done $0x0;
	s2 =	sshrl.u32 s2, $0x3  }
0xb5: {  	s12 =	simm.s32 $0x0;
	[sflag:s13] =	ssyncadd.s32 $0xFFFFD800;
	s30 =	sadd.s32 s7, s2  }
0xb6: {  	[tilespmem:s12], [sflag:$0x1] =	stream.linear.gather [hbm4b:s30+s12], $0x50, $0x38;
	[tilespmem:$0x1DEF8] =	vst v63  }
0xb7: {  	s2 =	sadd.s32 s9, s2  }
0xb8: {  	v1 =	vmov s12;
	[tilespmem:s15], [sflag:$0x3] =	stream.linear.gather [hbm4b:s2+s12], $0x50, $0x38;
	[tilespmem:$0x1DEF8] =	vst v63  }
0xb9: {  	s2 =	simm.s32 $0x5340  }
0xba: {  	v5 =	vld [tilespmem:s2+$0x30]  }
0xbb: {  	v8 =	vld [tilespmem:s2+$0x10]  }
0xbc: {  	v6 =	vld [tilespmem:s2+$0xFFFFFFC0]  }
0xbd: {  	v2 =	vld.idx.msk [tilespmem:v1+s14+$0x0], $0xffff  }
0xbe: {  	v10 =	vld [tilespmem:s2+$0xFFFFFFE0]  }
0xbf: {  	v1 =	vld [tilespmem:s2+$0xFFFFFFF0]  }
0xc0: {  	v3 =	vld [tilespmem:s2+$0x20]  }
0xc1: {  	v4 =	vld [tilespmem:s2+$0xFFFFFFD0]  }
0xc2: {  	v9 =	vmul.f32 v5, v2;
	v5 =	vld [tilespmem:s2+$0x0]  }
0xc3: {  	v7 =	vmul.f32 v6, v2  }
0xc4: {  	s4 =	simm.s32 $0x80;
	s3 =	simm.s32 $0x1;
	s12 =	simm.s32 $0x5340;
	v6 =	vmul.f32 v10, v2;
	v8 =	vmul.f32 v8, v2  }
.LBB2_7:
0xc5: {  	p4 =	sne.s32 s3, $0x4F  }
0xc6: {  	v4 =	vmul.f32 v4, v2;
	v3 =	vmul.f32 v3, v2;
	[tilespmem:s2+$0x30] =	vst v9;
	s12 =	sadd.s32 $0x80, s12;
	s18 =	smov.u32 s3;
	s3 =	sadd.s32 $0x1, s3  }
0xc7: {  	[tilespmem:s2+$0xFFFFFFC0] =	vst v7;
	v7 =	vmul.f32 v1, v2;
	v2 =	vmul.f32 v5, v2  }
0xc8: {  	[tilespmem:s2+$0x10] =	vst v8  }
0xc9: {  	v5 =	vmov s18;
	[tilespmem:s2+$0xFFFFFFE0] =	vst v6  }
0xca: {  	v1 =	vld [tilespmem:s12+$0xFFFFFFF0];
	[tilespmem:s2+$0xFFFFFFF0] =	vst v7  }
0xcb: {  	v6 =	vld [tilespmem:s12+$0x30];
	[tilespmem:s2+$0x0] =	vst v2  }
0xcc: {  	v8 =	vld [tilespmem:s12+$0x10];
	[tilespmem:s2+$0x20] =	vst v3  }
0xcd: {  	v7 =	vld [tilespmem:s12+$0xFFFFFFC0];
	[tilespmem:s2+$0xFFFFFFD0] =	vst v4;
	s2 =	smov.u32 s12  }
0xce: {  	v2 =	vld.idx.msk [tilespmem:v5+s14+$0x0], $0xffff  }
0xcf: {  	v10 =	vld [tilespmem:s12+$0xFFFFFFE0]  }
0xd0: {  	v3 =	vld [tilespmem:s12+$0x20]  }
.Ltmp2:
0xd1: {  	v4 =	vld [tilespmem:s12+$0xFFFFFFD0];
	(pc) =	sbr.rel @p4 .LBB2_7-.Ltmp2, $3  }
0xd2: {  	v5 =	vld [tilespmem:s12+$0x0];
	_ =	sdelay $0x1  }
0xd3: {  	v7 =	vmul.f32 v7, v2;
	v9 =	vmul.f32 v6, v2  }
0xd4: {  	v8 =	vmul.f32 v8, v2;
	v6 =	vmul.f32 v10, v2  }
0xd5: {  	[tilespmem:s2+$0x30] =	vst v9  }
0xd6: {  	[tilespmem:s2+$0xFFFFFFC0] =	vst v7  }
0xd7: {  	v1 =	vmul.f32 v1, v2;
	[tilespmem:s2+$0x10] =	vst v8  }
0xd8: {  	v3 =	vmul.f32 v3, v2;
	[tilespmem:s2+$0xFFFFFFE0] =	vst v6  }
0xd9: {  	v5 =	vmul.f32 v5, v2;
	[tilespmem:s2+$0xFFFFFFF0] =	vst v1  }
0xda: {  	v1 =	vmul.f32 v4, v2;
	[tilespmem:s2+$0x20] =	vst v3  }
0xdb: {  	[tilespmem:s2+$0x0] =	vst v5  }
0xdc: {  	s30 =	rddreg [dreg:$0x2];
	s3 =	simm.s32 $0x200;
	[tilespmem:s2+$0xFFFFFFD0] =	vst v1  }
0xdd: {  	[spmem:s30] =	stream.indirect.scatter.add.f32 [tilespmem:s29], [sflag:$0x9], $0x80, s3, s25, $0xb8;
	[tilespmem:$0x1DEF8] =	vst v63  }
0xde: {  	_ = 	snop  }
0xdf: {  	[spmem:s24] =	stream.indirect.scatter.add.f32 [tilespmem:s14], [sflag:$0xB], $0x1, s3, s25, $0xb8;
	[tilespmem:$0x1DEF8] =	vst v63  }
0xe0: {  	_ =	swait.ge [sflag:s0], $0x2800  }
0xe1: {  	[sflag:s0] =	ssyncset.done $0x0  }
0xe2: {  	[sflag:s0] =	ssyncadd.s32 $0xFFFFD800  }
0xe3: {  	_ =	swait.ge [sflag:s8], $0x2800  }
0xe4: {  	[sflag:s8] =	ssyncset.done $0x0  }
0xe5: {  	s2 =	simm.s32 @!p3 $0xC;
	[sflag:s8] =	ssyncadd.s32 $0xFFFFD800  }
0xe6: {  	s18 =	simm.s32 $0x340;
	_ =	swait.ge @!p3 [sflag:s2], $0x50  }
0xe7: {  	s19 =	simm.s32 $0x2B40;
	s12 =	simm.s32 $0x0;
	[sflag:s2] =	ssyncset.done @!p3 $0x0  }
0xe8: {  	s29 =	smov.u32 s24;
	[sflag:s2] =	ssyncadd.s32 @!p3 $0xFFFFFFB0;
	s2 =	simm.s32 $0x0  }
.LBB2_9:
0xe9: {  	v1 =	vld [tilespmem:s18+$0xFFFFFFC0]  }
0xea: {  	v2 =	vld [tilespmem:s19+$0xFFFFFFC0]  }
0xeb: {  	v3 =	vld [tilespmem:s18+$0xFFFFFFD0]  }
0xec: {  	v4 =	vld [tilespmem:s19+$0xFFFFFFD0]  }
0xed: {  	v5 =	vld [tilespmem:s18+$0xFFFFFFE0]  }
0xee: {  	v6 =	vld [tilespmem:s19+$0xFFFFFFE0]  }
0xef: {  	v7 =	vld [tilespmem:s18+$0xFFFFFFF0]  }
0xf0: {  	v8 =	vld [tilespmem:s19+$0xFFFFFFF0]  }
0xf1: {  	v1 =	vmul.f32 v2, v1;
	v2 =	vmul.f32 v4, v3;
	v3 =	vld [tilespmem:s18+$0x0]  }
0xf2: {  	v4 =	vld [tilespmem:s19+$0x0]  }
0xf3: {  	v1 =	vadd.f32 v2, v1;
	v2 =	vmul.f32 v6, v5;
	v5 =	vld [tilespmem:s18+$0x10]  }
0xf4: {  	v6 =	vld [tilespmem:s19+$0x10]  }
0xf5: {  	v1 =	vadd.f32 v2, v1;
	v2 =	vmul.f32 v8, v7;
	v7 =	vld [tilespmem:s18+$0x20]  }
0xf6: {  	v8 =	vld [tilespmem:s19+$0x20]  }
0xf7: {  	v1 =	vadd.f32 v2, v1;
	v2 =	vmul.f32 v4, v3;
	v3 =	vld [tilespmem:s18+$0x30]  }
0xf8: {  	s3 =	sadd.s32 $0x80, s18;
	v4 =	vld [tilespmem:s19+$0x30]  }
0xf9: {  	s23 =	sadd.s32 $0x80, s19;
	v9 =	vld [tilespmem:s3+$0xFFFFFFC0];
	v1 =	vadd.f32 v2, v1;
	v2 =	vmul.f32 v6, v5  }
0xfa: {  	v5 =	vld [tilespmem:s23+$0xFFFFFFC0]  }
0xfb: {  	v6 =	vld [tilespmem:s3+$0xFFFFFFD0];
	v1 =	vadd.f32 v2, v1;
	v2 =	vmul.f32 v8, v7  }
0xfc: {  	v7 =	vld [tilespmem:s23+$0xFFFFFFD0]  }
0xfd: {  	v8 =	vld [tilespmem:s3+$0xFFFFFFE0];
	v1 =	vadd.f32 v2, v1;
	v2 =	vmul.f32 v4, v3  }
0xfe: {  	v3 =	vld [tilespmem:s23+$0xFFFFFFE0]  }
0xff: {  	v4 =	vld [tilespmem:s3+$0xFFFFFFF0];
	v1 =	vadd.f32 v2, v1  }
0x100: {  	v2 =	vld [tilespmem:s23+$0xFFFFFFF0]  }
0x101: {  	v5 =	vmul.f32 v5, v9;
	v6 =	vmul.f32 v7, v6;
	v7 =	vld [tilespmem:s3+$0x0];
	(xrf2) =	vadd.scan.msk.f32 $0xffff, v1  }
0x102: {  	v1 =	vld [tilespmem:s23+$0x0]  }
0x103: {  	v5 =	vadd.f32 v6, v5;
	v3 =	vmul.f32 v3, v8;
	v6 =	vld [tilespmem:s3+$0x10]  }
0x104: {  	v8 =	vld [tilespmem:s23+$0x10]  }
0x105: {  	v10 =	vld [tilespmem:s23+$0x20];
	v3 =	vadd.f32 v3, v5;
	v2 =	vmul.f32 v2, v4  }
0x106: {  	v5 =	vld [tilespmem:s3+$0x20]  }
0x107: {  	v9 =	vadd.f32 v2, v3;
	v1 =	vmul.f32 v1, v7;
	v2 =	vld [tilespmem:s3+$0x30]  }
0x108: {  	s30 =	sadd.s32 $0x80, s3;
	v3 =	vld [tilespmem:s23+$0x30]  }
0x109: {  	v4 =	vld [tilespmem:s30+$0xFFFFFFC0];
	s3 =	sadd.s32 $0x80, s23;
	v6 =	vmul.f32 v8, v6;
	v7 =	vadd.f32 v1, v9  }
0x10a: {  	v8 =	vld [tilespmem:s3+$0xFFFFFFC0]  }
0x10b: {  	s26 =	sshll.u32 s12, $0x4;
	v11 =	vld [tilespmem:s3+$0xFFFFFFD0];
	v10 =	vmul.f32 v10, v5;
	v6 =	vadd.f32 v6, v7;
	v12, _, _ =	vpop (xrf2)  }
0x10c: {  	s28 =	simm.s32 $0x2;
	s24 =	simm.s32 $0x3;
	s23 =	simm.s32 $0x1;
	v1 =	vimm.f32 $0.0e+00;
	v9 =	vld [tilespmem:s30+$0xFFFFFFD0];
	v7 =	vmov s2;
	v5 =	vbroadcast v12, $0xF  }
.LBB2_10:
0x10d: {  	p3 =	sne.s32 s24, $0xF;
	v12 =	vld [tilespmem:s30+$0xFFFFFFE0];
	v6 =	vadd.f32 v10, v6;
	v2 =	vmul.f32 v3, v2;
	vm0 =	veq.s32 v7, v0  }
0x10e: {  	v3 =	vld [tilespmem:s3+$0xFFFFFFE0];
	v1 =	vsel vm0, v5, v1  }
0x10f: {  	v5 =	vld [tilespmem:s30+$0xFFFFFFF0];
	v2 =	vadd.f32 v2, v6  }
0x110: {  	v6 =	vld [tilespmem:s3+$0xFFFFFFF0]  }
0x111: {  	v4 =	vmul.f32 v8, v4;
	v7 =	vmul.f32 v11, v9;
	v8 =	vld [tilespmem:s30+$0x0];
	(xrf2) =	vadd.scan.msk.f32 $0xffff, v2  }
0x112: {  	v2 =	vld [tilespmem:s3+$0x0]  }
0x113: {  	v4 =	vadd.f32 v7, v4;
	v3 =	vmul.f32 v3, v12;
	v7 =	vld [tilespmem:s30+$0x10]  }
0x114: {  	v9 =	vld [tilespmem:s3+$0x10]  }
0x115: {  	v3 =	vadd.f32 v3, v4;
	v4 =	vmul.f32 v6, v5;
	v5 =	vld [tilespmem:s30+$0x20]  }
0x116: {  	v10 =	vld [tilespmem:s3+$0x20]  }
0x117: {  	v6 =	vadd.f32 v4, v3;
	v8 =	vmul.f32 v2, v8;
	v2 =	vld [tilespmem:s30+$0x30]  }
.Ltmp3:
0x118: {  	s30 =	sadd.s32 $0x80, s30;
	v3 =	vld [tilespmem:s3+$0x30];
	(pc) =	sbr.rel @p3 .LBB2_10-.Ltmp3, $4  }
0x119: {  	s3 =	sadd.s32 $0x80, s3;
	v4 =	vld [tilespmem:s30+$0xFFFFFFC0];
	v6 =	vadd.f32 v8, v6;
	v7 =	vmul.f32 v9, v7  }
0x11a: {  	v8 =	vld [tilespmem:s3+$0xFFFFFFC0]  }
0x11b: {  	v9 =	vld [tilespmem:s30+$0xFFFFFFD0];
	v6 =	vadd.f32 v7, v6;
	v10 =	vmul.f32 v10, v5;
	v5, _, _ =	vpop (xrf2)  }
0x11c: {  	v7 =	vmov s23;
	s23 =	smov.u32 s28;
	s28 =	smov.u32 s24;
	s24 =	sadd.s32 $0x1, s24;
	v11 =	vld [tilespmem:s3+$0xFFFFFFD0];
	v5 =	vbroadcast v5, $0xF  }
0x11d: {  	v12 =	vld [tilespmem:s30+$0xFFFFFFE0]  }
0x11e: {  	v13 =	vld [tilespmem:s3+$0xFFFFFFE0]  }
0x11f: {  	v14 =	vld [tilespmem:s30+$0xFFFFFFF0]  }
0x120: {  	v15 =	vld [tilespmem:s3+$0xFFFFFFF0]  }
0x121: {  	v49 =	vld [tilespmem:s30+$0x0];
	v4 =	vmul.f32 v8, v4;
	v48 =	vmul.f32 v11, v9  }
0x122: {  	v50 =	vld [tilespmem:s3+$0x0]  }
0x123: {  	v52 =	vld [tilespmem:s30+$0x10];
	v51 =	vmul.f32 v13, v12;
	v4 =	vadd.f32 v48, v4  }
0x124: {  	v53 =	vld [tilespmem:s3+$0x10]  }
0x125: {  	v55 =	vld [tilespmem:s30+$0x20];
	v54 =	vmul.f32 v15, v14;
	v4 =	vadd.f32 v51, v4  }
0x126: {  	v56 =	vld [tilespmem:s3+$0x20]  }
0x127: {  	v58 =	vld [tilespmem:s30+$0x30];
	v57 =	vmul.f32 v50, v49;
	v4 =	vadd.f32 v54, v4  }
0x128: {  	v59 =	vld [tilespmem:s3+$0x30]  }
0x129: {  	v60 =	vmul.f32 v53, v52;
	v4 =	vadd.f32 v57, v4;
	_ =	sdelay $0x1  }
0x12a: {  	v61 =	vmul.f32 v56, v55;
	v4 =	vadd.f32 v60, v4  }
0x12b: {  	v6 =	vadd.f32 v10, v6;
	v2 =	vmul.f32 v3, v2  }
0x12c: {  	v62 =	vmul.f32 v59, v58;
	v3 =	vadd.f32 v61, v4  }
0x12d: {  	v2 =	vadd.f32 v2, v6  }
0x12e: {  	v3 =	vadd.f32 v62, v3  }
0x12f: {  	(xrf2) =	vadd.scan.msk.f32 $0xffff, v2  }
0x130: {  	(xrf2) =	vadd.scan.msk.f32 $0xffff, v3;
	_ =	sdelay $0x8  }
0x131: {  	vm0 =	veq.s32 v7, v0;
	v2, _, _ =	vpop (xrf2)  }
0x132: {  	v1 =	vsel vm0, v5, v1;
	v2 =	vbroadcast v2, $0xF;
	v3 =	vmov s23;
	v63, _, _ =	vpop (xrf2)  }
0x133: {  	vm14 =	veq.s32 v3, v0;
	v3 =	vmov s28;
	v4 =	vbroadcast v63, $0xF  }
0x134: {  	v1 =	vsel vm14, v2, v1;
	vm15 =	veq.s32 v3, v0  }
0x135: {  	v1 =	vsel vm15, v4, v1  }
0x136: {  	v1 =	vmax.f32 v1, $-6.000000000e+01  }
0x137: {  	v1 =	vmin.f32 v1, $6.000000000e+01  }
0x138: {  	v1 =	vmul.f32 $1.442695020e+00, v1;
	_ =	sdelay $0x1  }
0x139: {  	(erf) = vpow2.f32 v1;
	_ =	sdelay $0x3  }
0x13a: {  	s12 =	sadd.s32 $0x1, s12  }
0x13b: {  	p3 =	sne.s32 s12, $0x5  }
.Ltmp4:
0x13c: {  	_ = 	snop;
	(pc) =	sbr.rel @p3 .LBB2_9-.Ltmp4, $3  }
0x13d: {  	_ =	sdelay $0x1  }
0x13e: {  	v1 =	vpop (erf)  }
0x13f: {  	s18 =	sadd.s32 $0x800, s18;
	s19 =	sadd.s32 $0x800, s19;
	[tilespmem:s26+$0xA380] =	vst v1  }
0x140: {  	_ =	swait.ge [sflag:s16], $0x50  }
0x141: {  	[sflag:s16] =	ssyncset.done $0x0  }
0x142: {  	[sflag:s16] =	ssyncadd.s32 $0xFFFFFFB0  }
0x143: {  	_ =	swait.ge [sflag:s17], $0x50  }
0x144: {  	[sflag:s17] =	ssyncset.done $0x0  }
0x145: {  	[sflag:s17] =	ssyncadd.s32 $0xFFFFFFB0  }
0x146: {  	s3 =	simm.s32 $0x300;
	s2 =	rddreg [dreg:$0x0]  }
0x147: {  	[tilespmem:s3], [sflag:$0x5] =	stream.indirect.gather [hbm4b:s2+s25], $0x80, s15, s25, $0xb8;
	[tilespmem:$0x1DEF8] =	vst v63  }
0x148: {  	s24 =	simm.s32 $0x2B00;
	s26 =	simm.s32 $0x0  }
0x149: {  	[tilespmem:s24], [sflag:$0x6] =	stream.indirect.gather [hbm4b:s5+s25], $0x80, s26, s25, $0xb8;
	[tilespmem:$0x1DEF8] =	vst v63  }
0x14a: {  	_ =	swait.ge [sflag:s20], $0x2800  }
0x14b: {  	[sflag:s20] =	ssyncset.done $0x0  }
0x14c: {  	s30 =	simm.s32 $0x5300;
	[sflag:s20] =	ssyncadd.s32 $0xFFFFD800  }
0x14d: {  	[tilespmem:s30], [sflag:$0x7] =	stream.indirect.gather [hbm4b:s6+s25], $0x80, s26, s25, $0xb8;
	[tilespmem:$0x1DEF8] =	vst v63  }
0x14e: {  	v1 =	vld [tilespmem:$0x180]  }
0x14f: {  	v2 =	vld [tilespmem:$0x190]  }
0x150: {  	v3 =	vld [tilespmem:$0x1A0]  }
0x151: {  	v4 =	vld [tilespmem:$0x1B0]  }
0x152: {  	v5 =	vld [tilespmem:$0x1C0]  }
0x153: {  	[tilespmem:$0x280] =	vst v1  }
0x154: {  	[tilespmem:$0x290] =	vst v2  }
0x155: {  	[tilespmem:$0x2A0] =	vst v3  }
0x156: {  	[tilespmem:$0x2B0] =	vst v4  }
0x157: {  	[tilespmem:$0x2C0] =	vst v5  }
0x158: {  	_ =	swait.ge [sflag:s21], $0x2800  }
0x159: {  	p3 =	seq.s32 s31, $0x3D;
	s2 =	rddreg [dreg:$0xe]  }
0x15a: {  	s1 =	sadd.s32 @!p3 s1, s2  }
0x15b: {  	s12 =	simm.s32 @!p3 $0x80;
	[sflag:s21] =	ssyncset.done $0x0;
	s1 =	sshrl.u32 @!p3 s1, $0x3  }
0x15c: {  	s3 =	simm.s32 @!p3 $0x0;
	[sflag:s21] =	ssyncadd.s32 $0xFFFFD800;
	s2 =	sadd.s32 @!p3 s7, s1  }
0x15d: {  	[tilespmem:s12], [sflag:$0x2] =	stream.linear.gather @!p3 [hbm4b:s2+s3], $0x50, $0x38;
	[tilespmem:$0x1DEF8] =	vst v63  }
0x15e: {  	s28 =	simm.s32 $0x0;
	s1 =	sadd.s32 @!p3 s9, s1;
	s2 =	simm.s32 @!p3 $0x180  }
0x15f: {  	v1 =	vmov s28;
	[tilespmem:s2], [sflag:$0x4] =	stream.linear.gather @!p3 [hbm4b:s1+s3], $0x50, $0x38;
	[tilespmem:$0x1DEF8] =	vst v63  }
0x160: {  	s1 =	simm.s32 $0x7B40  }
0x161: {  	v5 =	vld [tilespmem:s1+$0x30]  }
0x162: {  	v8 =	vld [tilespmem:s1+$0x10]  }
0x163: {  	v6 =	vld [tilespmem:s1+$0xFFFFFFC0]  }
0x164: {  	v2 =	vld.idx.msk [tilespmem:v1+s22+$0x0], $0xffff  }
0x165: {  	v10 =	vld [tilespmem:s1+$0xFFFFFFE0]  }
0x166: {  	v1 =	vld [tilespmem:s1+$0xFFFFFFF0]  }
0x167: {  	v3 =	vld [tilespmem:s1+$0x20]  }
0x168: {  	v4 =	vld [tilespmem:s1+$0xFFFFFFD0]  }
0x169: {  	v9 =	vmul.f32 v5, v2;
	v5 =	vld [tilespmem:s1+$0x0]  }
0x16a: {  	v7 =	vmul.f32 v6, v2  }
0x16b: {  	s2 =	simm.s32 $0x1;
	s3 =	simm.s32 $0x7B40;
	v6 =	vmul.f32 v10, v2;
	v8 =	vmul.f32 v8, v2  }
.LBB2_13:
0x16c: {  	p3 =	sne.s32 s2, $0x4F  }
0x16d: {  	v4 =	vmul.f32 v4, v2;
	v3 =	vmul.f32 v3, v2;
	[tilespmem:s1+$0x30] =	vst v9;
	s3 =	sadd.s32 $0x80, s3;
	s12 =	smov.u32 s2;
	s2 =	sadd.s32 $0x1, s2  }
0x16e: {  	[tilespmem:s1+$0xFFFFFFC0] =	vst v7;
	v7 =	vmul.f32 v1, v2;
	v2 =	vmul.f32 v5, v2  }
0x16f: {  	[tilespmem:s1+$0x10] =	vst v8  }
0x170: {  	v5 =	vmov s12;
	[tilespmem:s1+$0xFFFFFFE0] =	vst v6  }
0x171: {  	v1 =	vld [tilespmem:s3+$0xFFFFFFF0];
	[tilespmem:s1+$0xFFFFFFF0] =	vst v7  }
0x172: {  	v6 =	vld [tilespmem:s3+$0x30];
	[tilespmem:s1+$0x0] =	vst v2  }
0x173: {  	v8 =	vld [tilespmem:s3+$0x10];
	[tilespmem:s1+$0x20] =	vst v3  }
0x174: {  	v7 =	vld [tilespmem:s3+$0xFFFFFFC0];
	[tilespmem:s1+$0xFFFFFFD0] =	vst v4;
	s1 =	smov.u32 s3  }
0x175: {  	v2 =	vld.idx.msk [tilespmem:v5+s22+$0x0], $0xffff  }
0x176: {  	v10 =	vld [tilespmem:s3+$0xFFFFFFE0]  }
0x177: {  	v3 =	vld [tilespmem:s3+$0x20]  }
.Ltmp5:
0x178: {  	v4 =	vld [tilespmem:s3+$0xFFFFFFD0];
	(pc) =	sbr.rel @p3 .LBB2_13-.Ltmp5, $3  }
0x179: {  	v5 =	vld [tilespmem:s3+$0x0];
	_ =	sdelay $0x1  }
0x17a: {  	v7 =	vmul.f32 v7, v2;
	v9 =	vmul.f32 v6, v2  }
0x17b: {  	v8 =	vmul.f32 v8, v2;
	v6 =	vmul.f32 v10, v2  }
0x17c: {  	[tilespmem:s1+$0x30] =	vst v9  }
0x17d: {  	[tilespmem:s1+$0xFFFFFFC0] =	vst v7  }
0x17e: {  	v1 =	vmul.f32 v1, v2;
	[tilespmem:s1+$0x10] =	vst v8  }
0x17f: {  	v3 =	vmul.f32 v3, v2;
	[tilespmem:s1+$0xFFFFFFE0] =	vst v6  }
0x180: {  	s31 =	sadd.s32 $0x1, s31;
	v5 =	vmul.f32 v5, v2;
	[tilespmem:s1+$0xFFFFFFF0] =	vst v1  }
0x181: {  	p3 =	sne.s32 s31, $0x3E;
	v1 =	vmul.f32 v4, v2;
	[tilespmem:s1+$0x20] =	vst v3  }
.Ltmp6:
0x182: {  	[tilespmem:s1+$0x0] =	vst v5;
	(pc) =	sbr.rel @p3 .LBB2_2-.Ltmp6, $4  }
0x183: {  	s28 =	rddreg [dreg:$0x2];
	s2 =	simm.s32 $0x7B00;
	s3 =	simm.s32 $0x280;
	[tilespmem:s1+$0xFFFFFFD0] =	vst v1  }
0x184: {  	[spmem:s28] =	stream.indirect.scatter.add.f32 [tilespmem:s2], [sflag:$0xA], $0x80, s3, s25, $0xb8;
	[tilespmem:$0x1DEF8] =	vst v63  }
0x185: {  	s24 =	smov.u32 s29  }
0x186: {  	[spmem:s29] =	stream.indirect.scatter.add.f32 [tilespmem:s22], [sflag:$0xC], $0x1, s3, s25, $0xb8;
	[tilespmem:$0x1DEF8] =	vst v63  }
0x187: {  	_ =	swait.ge [sflag:s0], $0x2800  }
0x188: {  	[sflag:s0] =	ssyncset.done $0x0  }
0x189: {  	[sflag:s0] =	ssyncadd.s32 $0xFFFFD800  }
0x18a: {  	_ =	swait.ge [sflag:s8], $0x2800  }
0x18b: {  	[sflag:s8] =	ssyncset.done $0x0  }
0x18c: {  	s15 =	simm.s32 $0xB;
	[sflag:s8] =	ssyncadd.s32 $0xFFFFD800  }
0x18d: {  	_ =	swait.ge [sflag:s15], $0x50  }
0x18e: {  	s1 =	simm.s32 $0x0;
	s2 =	simm.s32 $0x340;
	[sflag:s15] =	ssyncset.done $0x0  }
0x18f: {  	s18 =	simm.s32 $0x2B40;
	s12 =	simm.s32 $0x0;
	[sflag:s15] =	ssyncadd.s32 $0xFFFFFFB0  }
.LBB2_16:
0x190: {  	v1 =	vld [tilespmem:s2+$0xFFFFFFC0]  }
0x191: {  	v2 =	vld [tilespmem:s18+$0xFFFFFFC0]  }
0x192: {  	v3 =	vld [tilespmem:s2+$0xFFFFFFD0]  }
0x193: {  	v4 =	vld [tilespmem:s18+$0xFFFFFFD0]  }
0x194: {  	v5 =	vld [tilespmem:s2+$0xFFFFFFE0]  }
0x195: {  	v6 =	vld [tilespmem:s18+$0xFFFFFFE0]  }
0x196: {  	v7 =	vld [tilespmem:s2+$0xFFFFFFF0]  }
0x197: {  	v8 =	vld [tilespmem:s18+$0xFFFFFFF0]  }
0x198: {  	v1 =	vmul.f32 v2, v1;
	v2 =	vmul.f32 v4, v3;
	v3 =	vld [tilespmem:s2+$0x0]  }
0x199: {  	v4 =	vld [tilespmem:s18+$0x0]  }
0x19a: {  	v1 =	vadd.f32 v2, v1;
	v2 =	vmul.f32 v6, v5;
	v5 =	vld [tilespmem:s2+$0x10]  }
0x19b: {  	v6 =	vld [tilespmem:s18+$0x10]  }
0x19c: {  	v1 =	vadd.f32 v2, v1;
	v2 =	vmul.f32 v8, v7;
	v7 =	vld [tilespmem:s2+$0x20]  }
0x19d: {  	v8 =	vld [tilespmem:s18+$0x20]  }
0x19e: {  	v1 =	vadd.f32 v2, v1;
	v2 =	vmul.f32 v4, v3;
	v3 =	vld [tilespmem:s2+$0x30]  }
0x19f: {  	s3 =	sadd.s32 $0x80, s2;
	v4 =	vld [tilespmem:s18+$0x30]  }
0x1a0: {  	s19 =	sadd.s32 $0x80, s18;
	v9 =	vld [tilespmem:s3+$0xFFFFFFC0];
	v1 =	vadd.f32 v2, v1;
	v2 =	vmul.f32 v6, v5  }
0x1a1: {  	v5 =	vld [tilespmem:s19+$0xFFFFFFC0]  }
0x1a2: {  	v6 =	vld [tilespmem:s3+$0xFFFFFFD0];
	v1 =	vadd.f32 v2, v1;
	v2 =	vmul.f32 v8, v7  }
0x1a3: {  	v7 =	vld [tilespmem:s19+$0xFFFFFFD0]  }
0x1a4: {  	v8 =	vld [tilespmem:s3+$0xFFFFFFE0];
	v1 =	vadd.f32 v2, v1;
	v2 =	vmul.f32 v4, v3  }
0x1a5: {  	v3 =	vld [tilespmem:s19+$0xFFFFFFE0]  }
0x1a6: {  	v4 =	vld [tilespmem:s3+$0xFFFFFFF0];
	v1 =	vadd.f32 v2, v1  }
0x1a7: {  	v2 =	vld [tilespmem:s19+$0xFFFFFFF0]  }
0x1a8: {  	v5 =	vmul.f32 v5, v9;
	v6 =	vmul.f32 v7, v6;
	v7 =	vld [tilespmem:s3+$0x0];
	(xrf2) =	vadd.scan.msk.f32 $0xffff, v1  }
0x1a9: {  	v1 =	vld [tilespmem:s19+$0x0]  }
0x1aa: {  	v5 =	vadd.f32 v6, v5;
	v3 =	vmul.f32 v3, v8;
	v6 =	vld [tilespmem:s3+$0x10]  }
0x1ab: {  	v8 =	vld [tilespmem:s19+$0x10]  }
0x1ac: {  	v10 =	vld [tilespmem:s19+$0x20];
	v3 =	vadd.f32 v3, v5;
	v2 =	vmul.f32 v2, v4  }
0x1ad: {  	v5 =	vld [tilespmem:s3+$0x20]  }
0x1ae: {  	v9 =	vadd.f32 v2, v3;
	v1 =	vmul.f32 v1, v7;
	v2 =	vld [tilespmem:s3+$0x30]  }
0x1af: {  	s28 =	sadd.s32 $0x80, s3;
	v3 =	vld [tilespmem:s19+$0x30]  }
0x1b0: {  	v4 =	vld [tilespmem:s28+$0xFFFFFFC0];
	s3 =	sadd.s32 $0x80, s19;
	v6 =	vmul.f32 v8, v6;
	v7 =	vadd.f32 v1, v9  }
0x1b1: {  	v8 =	vld [tilespmem:s3+$0xFFFFFFC0]  }
0x1b2: {  	s23 =	simm.s32 $0x1;
	v11 =	vld [tilespmem:s3+$0xFFFFFFD0];
	v10 =	vmul.f32 v10, v5;
	v6 =	vadd.f32 v6, v7;
	v12, _, _ =	vpop (xrf2)  }
0x1b3: {  	s26 =	simm.s32 $0x2;
	s24 =	simm.s32 $0x3;
	s19 =	sshll.u32 s12, $0x4;
	v1 =	vimm.f32 $0.0e+00;
	v9 =	vld [tilespmem:s28+$0xFFFFFFD0];
	v7 =	vmov s1;
	v5 =	vbroadcast v12, $0xF  }
.LBB2_17:
0x1b4: {  	p3 =	sne.s32 s24, $0xF;
	v12 =	vld [tilespmem:s28+$0xFFFFFFE0];
	v6 =	vadd.f32 v10, v6;
	v2 =	vmul.f32 v3, v2;
	vm0 =	veq.s32 v7, v0  }
0x1b5: {  	v3 =	vld [tilespmem:s3+$0xFFFFFFE0];
	v1 =	vsel vm0, v5, v1  }
0x1b6: {  	v5 =	vld [tilespmem:s28+$0xFFFFFFF0];
	v2 =	vadd.f32 v2, v6  }
0x1b7: {  	v6 =	vld [tilespmem:s3+$0xFFFFFFF0]  }
0x1b8: {  	v4 =	vmul.f32 v8, v4;
	v7 =	vmul.f32 v11, v9;
	v8 =	vld [tilespmem:s28+$0x0];
	(xrf2) =	vadd.scan.msk.f32 $0xffff, v2  }
0x1b9: {  	v2 =	vld [tilespmem:s3+$0x0]  }
0x1ba: {  	v4 =	vadd.f32 v7, v4;
	v3 =	vmul.f32 v3, v12;
	v7 =	vld [tilespmem:s28+$0x10]  }
0x1bb: {  	v9 =	vld [tilespmem:s3+$0x10]  }
0x1bc: {  	v3 =	vadd.f32 v3, v4;
	v4 =	vmul.f32 v6, v5;
	v5 =	vld [tilespmem:s28+$0x20]  }
0x1bd: {  	v10 =	vld [tilespmem:s3+$0x20]  }
0x1be: {  	v6 =	vadd.f32 v4, v3;
	v8 =	vmul.f32 v2, v8;
	v2 =	vld [tilespmem:s28+$0x30]  }
.Ltmp7:
0x1bf: {  	s28 =	sadd.s32 $0x80, s28;
	v3 =	vld [tilespmem:s3+$0x30];
	(pc) =	sbr.rel @p3 .LBB2_17-.Ltmp7, $4  }
0x1c0: {  	s3 =	sadd.s32 $0x80, s3;
	v4 =	vld [tilespmem:s28+$0xFFFFFFC0];
	v6 =	vadd.f32 v8, v6;
	v7 =	vmul.f32 v9, v7  }
0x1c1: {  	v8 =	vld [tilespmem:s3+$0xFFFFFFC0]  }
0x1c2: {  	v9 =	vld [tilespmem:s28+$0xFFFFFFD0];
	v6 =	vadd.f32 v7, v6;
	v10 =	vmul.f32 v10, v5;
	v5, _, _ =	vpop (xrf2)  }
0x1c3: {  	v7 =	vmov s23;
	s23 =	smov.u32 s26;
	s26 =	smov.u32 s24;
	s24 =	sadd.s32 $0x1, s24;
	v11 =	vld [tilespmem:s3+$0xFFFFFFD0];
	v5 =	vbroadcast v5, $0xF  }
0x1c4: {  	v12 =	vld [tilespmem:s28+$0xFFFFFFE0]  }
0x1c5: {  	v13 =	vld [tilespmem:s3+$0xFFFFFFE0]  }
0x1c6: {  	v14 =	vld [tilespmem:s28+$0xFFFFFFF0]  }
0x1c7: {  	v15 =	vld [tilespmem:s3+$0xFFFFFFF0]  }
0x1c8: {  	v49 =	vld [tilespmem:s28+$0x0];
	v4 =	vmul.f32 v8, v4;
	v48 =	vmul.f32 v11, v9  }
0x1c9: {  	v50 =	vld [tilespmem:s3+$0x0]  }
0x1ca: {  	v52 =	vld [tilespmem:s28+$0x10];
	v51 =	vmul.f32 v13, v12;
	v4 =	vadd.f32 v48, v4  }
0x1cb: {  	v53 =	vld [tilespmem:s3+$0x10]  }
0x1cc: {  	v55 =	vld [tilespmem:s28+$0x20];
	v54 =	vmul.f32 v15, v14;
	v4 =	vadd.f32 v51, v4  }
0x1cd: {  	v56 =	vld [tilespmem:s3+$0x20]  }
0x1ce: {  	v58 =	vld [tilespmem:s28+$0x30];
	v57 =	vmul.f32 v50, v49;
	v4 =	vadd.f32 v54, v4  }
0x1cf: {  	v59 =	vld [tilespmem:s3+$0x30]  }
0x1d0: {  	v60 =	vmul.f32 v53, v52;
	v4 =	vadd.f32 v57, v4;
	_ =	sdelay $0x1  }
0x1d1: {  	v61 =	vmul.f32 v56, v55;
	v4 =	vadd.f32 v60, v4  }
0x1d2: {  	v6 =	vadd.f32 v10, v6;
	v2 =	vmul.f32 v3, v2  }
0x1d3: {  	v62 =	vmul.f32 v59, v58;
	v3 =	vadd.f32 v61, v4  }
0x1d4: {  	v2 =	vadd.f32 v2, v6  }
0x1d5: {  	v3 =	vadd.f32 v62, v3  }
0x1d6: {  	(xrf2) =	vadd.scan.msk.f32 $0xffff, v2  }
0x1d7: {  	(xrf2) =	vadd.scan.msk.f32 $0xffff, v3;
	_ =	sdelay $0x8  }
0x1d8: {  	vm0 =	veq.s32 v7, v0;
	v2, _, _ =	vpop (xrf2)  }
0x1d9: {  	v1 =	vsel vm0, v5, v1;
	v2 =	vbroadcast v2, $0xF;
	v3 =	vmov s23;
	v63, _, _ =	vpop (xrf2)  }
0x1da: {  	vm14 =	veq.s32 v3, v0;
	v3 =	vmov s26;
	v4 =	vbroadcast v63, $0xF  }
0x1db: {  	v1 =	vsel vm14, v2, v1;
	vm15 =	veq.s32 v3, v0  }
0x1dc: {  	v1 =	vsel vm15, v4, v1  }
0x1dd: {  	v1 =	vmax.f32 v1, $-6.000000000e+01  }
0x1de: {  	v1 =	vmin.f32 v1, $6.000000000e+01  }
0x1df: {  	v1 =	vmul.f32 $1.442695020e+00, v1;
	_ =	sdelay $0x1  }
0x1e0: {  	(erf) = vpow2.f32 v1;
	_ =	sdelay $0x3  }
0x1e1: {  	s12 =	sadd.s32 $0x1, s12  }
0x1e2: {  	p3 =	sne.s32 s12, $0x5  }
.Ltmp8:
0x1e3: {  	_ = 	snop;
	(pc) =	sbr.rel @p3 .LBB2_16-.Ltmp8, $3  }
0x1e4: {  	_ =	sdelay $0x1  }
0x1e5: {  	v1 =	vpop (erf)  }
0x1e6: {  	s2 =	sadd.s32 $0x800, s2;
	s18 =	sadd.s32 $0x800, s18;
	[tilespmem:s19+$0xA300] =	vst v1  }
0x1e7: {  	v1 =	vld [tilespmem:$0x100]  }
0x1e8: {  	v2 =	vld [tilespmem:$0x110]  }
0x1e9: {  	v3 =	vld [tilespmem:$0x120]  }
0x1ea: {  	v4 =	vld [tilespmem:$0x130]  }
0x1eb: {  	v5 =	vld [tilespmem:$0x140]  }
0x1ec: {  	[tilespmem:$0x200] =	vst v1  }
0x1ed: {  	[tilespmem:$0x210] =	vst v2  }
0x1ee: {  	[tilespmem:$0x220] =	vst v3  }
0x1ef: {  	[tilespmem:$0x230] =	vst v4  }
0x1f0: {  	[tilespmem:$0x240] =	vst v5  }
0x1f1: {  	s1 =	simm.s32 $0x0;
	_ =	swait.ge [sflag:s13], $0x2800  }
0x1f2: {  	v1 =	vmov s1;
	[sflag:s13] =	ssyncset.done $0x0  }
0x1f3: {  	s1 =	simm.s32 $0x5340;
	[sflag:s13] =	ssyncadd.s32 $0xFFFFD800  }
0x1f4: {  	v5 =	vld [tilespmem:s1+$0x30]  }
0x1f5: {  	v8 =	vld [tilespmem:s1+$0x10]  }
0x1f6: {  	v6 =	vld [tilespmem:s1+$0xFFFFFFC0]  }
0x1f7: {  	v2 =	vld.idx.msk [tilespmem:v1+s14+$0x0], $0xffff  }
0x1f8: {  	v10 =	vld [tilespmem:s1+$0xFFFFFFE0]  }
0x1f9: {  	v3 =	vld [tilespmem:s1+$0x20]  }
0x1fa: {  	v4 =	vld [tilespmem:s1+$0xFFFFFFD0]  }
0x1fb: {  	v1 =	vld [tilespmem:s1+$0xFFFFFFF0]  }
0x1fc: {  	v9 =	vmul.f32 v5, v2;
	v5 =	vld [tilespmem:s1+$0x0]  }
0x1fd: {  	v7 =	vmul.f32 v6, v2  }
0x1fe: {  	s2 =	simm.s32 $0x1;
	s3 =	simm.s32 $0x5340;
	v6 =	vmul.f32 v10, v2;
	v8 =	vmul.f32 v8, v2  }
.LBB2_20:
0x1ff: {  	p3 =	sne.s32 s2, $0x4F  }
0x200: {  	v4 =	vmul.f32 v4, v2;
	v3 =	vmul.f32 v3, v2;
	[tilespmem:s1+$0x30] =	vst v9;
	s3 =	sadd.s32 $0x80, s3;
	s12 =	smov.u32 s2;
	s2 =	sadd.s32 $0x1, s2  }
0x201: {  	[tilespmem:s1+$0xFFFFFFC0] =	vst v7;
	v7 =	vmul.f32 v1, v2;
	v2 =	vmul.f32 v5, v2  }
0x202: {  	[tilespmem:s1+$0x10] =	vst v8  }
0x203: {  	v5 =	vmov s12;
	[tilespmem:s1+$0xFFFFFFE0] =	vst v6  }
0x204: {  	v1 =	vld [tilespmem:s3+$0xFFFFFFF0];
	[tilespmem:s1+$0xFFFFFFF0] =	vst v7  }
0x205: {  	v6 =	vld [tilespmem:s3+$0x30];
	[tilespmem:s1+$0x0] =	vst v2  }
0x206: {  	v8 =	vld [tilespmem:s3+$0x10];
	[tilespmem:s1+$0x20] =	vst v3  }
0x207: {  	v7 =	vld [tilespmem:s3+$0xFFFFFFC0];
	[tilespmem:s1+$0xFFFFFFD0] =	vst v4;
	s1 =	smov.u32 s3  }
0x208: {  	v2 =	vld.idx.msk [tilespmem:v5+s14+$0x0], $0xffff  }
0x209: {  	v10 =	vld [tilespmem:s3+$0xFFFFFFE0]  }
0x20a: {  	v3 =	vld [tilespmem:s3+$0x20]  }
.Ltmp9:
0x20b: {  	v4 =	vld [tilespmem:s3+$0xFFFFFFD0];
	(pc) =	sbr.rel @p3 .LBB2_20-.Ltmp9, $3  }
0x20c: {  	v5 =	vld [tilespmem:s3+$0x0];
	_ =	sdelay $0x1  }
0x20d: {  	v7 =	vmul.f32 v7, v2;
	v9 =	vmul.f32 v6, v2  }
0x20e: {  	v8 =	vmul.f32 v8, v2;
	v6 =	vmul.f32 v10, v2  }
0x20f: {  	[tilespmem:s1+$0x30] =	vst v9  }
0x210: {  	[tilespmem:s1+$0xFFFFFFC0] =	vst v7  }
0x211: {  	v1 =	vmul.f32 v1, v2;
	[tilespmem:s1+$0x10] =	vst v8  }
0x212: {  	v3 =	vmul.f32 v3, v2;
	[tilespmem:s1+$0xFFFFFFE0] =	vst v6  }
0x213: {  	v5 =	vmul.f32 v5, v2;
	[tilespmem:s1+$0xFFFFFFF0] =	vst v1  }
0x214: {  	v1 =	vmul.f32 v4, v2;
	[tilespmem:s1+$0x20] =	vst v3  }
0x215: {  	[tilespmem:s1+$0x0] =	vst v5  }
0x216: {  	s24 =	rddreg [dreg:$0x2];
	s2 =	simm.s32 $0x200;
	[tilespmem:s1+$0xFFFFFFD0] =	vst v1  }
0x217: {  	[spmem:s24] =	stream.indirect.scatter.add.f32 [tilespmem:s30], [sflag:$0x9], $0x80, s2, s25, $0xb8;
	[tilespmem:$0x1DEF8] =	vst v63  }
0x218: {  	_ = 	snop  }
0x219: {  	[spmem:s29] =	stream.indirect.scatter.add.f32 [tilespmem:s14], [sflag:$0xB], $0x1, s2, s25, $0xb8;
	[tilespmem:$0x1DEF8] =	vst v63  }
0x21a: {  	_ =	swait.ge [sflag:s20], $0x2800  }
0x21b: {  	[sflag:s20] =	ssyncset.done $0x0  }
0x21c: {  	[sflag:s20] =	ssyncadd.s32 $0xFFFFD800  }
0x21d: {  	_ =	swait.ge [sflag:s15], $0x50  }
0x21e: {  	[sflag:s15] =	ssyncset.done $0x0  }
0x21f: {  	s26 =	simm.s32 $0xA;
	[sflag:s15] =	ssyncadd.s32 $0xFFFFFFB0  }
0x220: {  	_ =	swait.ge [sflag:s26], $0x2800  }
0x221: {  	[sflag:s26] =	ssyncset.done $0x0  }
0x222: {  	s28 =	simm.s32 $0xC;
	[sflag:s26] =	ssyncadd.s32 $0xFFFFD800  }
0x223: {  	_ =	swait.ge [sflag:s28], $0x50  }
0x224: {  	[sflag:s28] =	ssyncset.done $0x0  }
0x225: {  	[sflag:s28] =	ssyncadd.s32 $0xFFFFFFB0  }
0x226: {  	[bflag:$0x0] =	sbarrier.arrive $0xFFFF  }
0x227: {  	s2 =	rddreg [dreg:$0xf]  }
0x228: {  	s1 =	simm.s32 @!p0 $0x1C0D;
	s12 =	rddreg [dreg:$0x11]  }
0x229: {  	[hbm:s2], [sflag:s1] =	dma.local @!p0 [spmem:s12], $0x27100  }
0x22a: {  	s1 =	simm.s32 @!p0 $0xD  }
0x22b: {  	s2 =	stileid.u32;
	_ =	swait.ge @!p0 [sflag:s1], $0x27100  }
0x22c: {  	s2 =	sshll.u32 @!p2 s2, $0x6;
	[sflag:s1] =	ssyncset.done @!p0 $0x0;
	s3 =	rddreg [dreg:$0x7]  }
0x22d: {  	[sflag:s1] =	ssyncadd.s32 @!p0 $0xFFFD8F00;
	s1 =	sor.u32 @!p2 $0x1C0D, s2;
	s2 =	sshrl.u32 @!p2 s29, $0x3  }
0x22e: {  	[hbm:s3], [sflag:s1] =	dma.local @!p2 [spmem:s2], $0x4F0  }
0x22f: {  	s1 =	simm.s32 @!p2 $0xD  }
0x230: {  	_ =	swait.ge @!p2 [sflag:s1], $0x4F0  }
0x231: {  	s2 =	simm.s32 @p1 $0x1C0D;
	[sflag:s1] =	ssyncset.done @!p2 $0x0  }
0x232: {  	s3 =	rddreg [dreg:$0x8];
	[sflag:s1] =	ssyncadd.s32 @!p2 $0xFFFFFB10;
	s1 =	sshrl.u32 @p1 s29, $0x3  }
0x233: {  	[hbm:s3], [sflag:s2] =	dma.local @p1 [spmem:s1], $0x4F0  }
0x234: {  	s1 =	simm.s32 @p1 $0xD  }
0x235: {  	_ =	swait.ge @p1 [sflag:s1], $0x4F0  }
0x236: {  	s24 =	smov.u32 s29;
	s29 =	rddreg [dreg:$0x12]  }
0x237: {  	s31 =	rddreg [dreg:$0x10];
	s3 =	sadd.s32 $0x1, s29  }
0x238: {  	p3 =	sne.s32 s3, s31  }
.Ltmp10:
0x239: {  	_ = 	snop;
	(pc) =	sbr.rel @p3 .LBB2_1-.Ltmp10, $3  }
0x23a: {  	_ =	sdelay $0x1  }
0x23b: {  	[sflag:s1] =	ssyncset.done @p1 $0x0  }
0x23c: {  	[sflag:s1] =	ssyncadd.s32 @p1 $0xFFFFFB10  }
0x23d: {  	_ =	sfence.sel $0x180000  }
0x23e: {  	[bflag:$0x0] =	sbarrier.arrive $0xFFFF  }
0x23f: {  	_ =	strace $0x90000047  }
0x240: {  	[bflag:$0x2] =	sbarrier.arrive $0xFFFF  }
0x241: {  	s0 =	rddreg [dreg:$0x4]  }
0x242: {  	s0 =	sadd.s32 @!p0 $0x100000, s0  }
0x243: {  	[sflag:s0] =	ssyncadd.tile.s32 @!p0 $0x1;
	_ =	shalt  }
.Lfunc_end2:
_tile_overlayer_lowered:
.L_overlay_start_2:
0x244: {  	(tag) =	ssettag $0x2  }
0x245: {  	s0 =	rddreg [dreg:$0x0];
	s2 =	stileid.u32  }
0x246: {  	s1 =	rddreg [dreg:$0x1];
	p0 =	sne.s32 s2, $0x0  }
0x247: {  	s3 =	rddreg [dreg:$0x2];
	[bflag:$0x3] =	sbarrier.arrive $0xFFFF;
	s2 =	simm.s32 @!p0 $0x1C0D  }
0x248: {  	[timem:s3], [sflag:s2] =	dma.local @!p0 [hbm:s0], s1  }
0x249: {  	s0 =	simm.s32 @!p0 $0xD  }
0x24a: {  	_ =	swait.ge @!p0 [sflag:s0], s1  }
0x24b: {  	s1 =	ssub.s32 @!p0 $0x0, s1;
	[sflag:s0] =	ssyncset.done @!p0 $0x0  }
0x24c: {  	[sflag:s0] =	ssyncadd.s32 @!p0 s1  }
0x24d: {  	[bflag:$0x3] =	sbarrier.arrive $0xFFFF  }
0x24e: {  	_ =	shalt  }

</sc_bundles>
